<compile_context>
chip_gen: v7x
topology: tpu7x:2x2x1
jax: 0.10.2.dev20260603
libtpu: 0.0.44.dev20260713+nightly
codegen_flags: <defaults>
</compile_context>

<pallas_src>
import functools

import jax
import jax.numpy as jnp
from jax import lax
from jax.experimental import pallas as pl
from jax.experimental.pallas import tpu as pltpu
from jax.experimental.pallas import tpu_sc as plsc

N = 10000
N_PAD = 10240
E = 160000
D = 256
H = 512
EPS = 1e-07

LC = 128
NCHUNK = 4
NSUB = 16
NCORE = 2
EPT = E // NSUB
B = 80
NBATCH = EPT // B
NBUF = 3
ROWS_PER_TILE = N_PAD // NSUB
IO_ROWS = B
IO_STEPS = ROWS_PER_TILE // IO_ROWS


def _prep_body(x_ref, p_ref, q_ref):
    r = jnp.maximum(x_ref[...], 0.0) + EPS
    p = jnp.exp(r)
    p_ref[...] = p
    q_ref[...] = p * r


def _prep(x):
    RB = 1000
    NB = N // RB
    spec = pl.BlockSpec((RB, LC), lambda c, i: (c * NB + i, 0))
    return pl.pallas_call(
        _prep_body,
        grid=(2, NB),
        in_specs=[pl.BlockSpec((RB, LC), lambda c, i: (i, c))],
        out_specs=(spec, spec),
        out_shape=(jax.ShapeDtypeStruct((2 * N, LC), jnp.float32),
                   jax.ShapeDtypeStruct((2 * N, LC), jnp.float32)),
    )(x)


def _sc_body(gidx2_hbm, dst_hbm, p_hbm, q_hbm, zeros_hbm, acc_hbm,
             gidxall_v, r0, r1, r2, d0, d1, d2,
             acc_sh, s0, s1, s2, ds0, ds1, ds2):
    c = lax.axis_index("c")
    s = lax.axis_index("s")
    ebase = s * EPT
    bufs = [r0, r1, r2]
    dbufs = [d0, d1, d2]
    sems = [s0, s1, s2]
    dsems = [ds0, ds1, ds2]

    pltpu.sync_copy(gidx2_hbm.at[pl.ds(c * E + ebase, EPT)], gidxall_v)

    for k in range(2):
        table_hbm = (p_hbm, q_hbm)[k]

        pltpu.sync_copy(zeros_hbm, r0)
        for t in range(IO_STEPS):
            pltpu.sync_copy(
                r0, acc_sh.at[pl.ds(s * ROWS_PER_TILE + t * IO_ROWS, IO_ROWS)])
        plsc.subcore_barrier()

        def gather(b, i):
            pltpu.async_copy(dst_hbm.at[pl.ds(ebase + b * B, B)],
                             dbufs[i], dsems[i])
            pltpu.async_copy(
                table_hbm.at[gidxall_v.at[pl.ds(b * B, B)]], bufs[i], sems[i])

        def drain_scatter(b, i):
            pltpu.make_async_copy(dst_hbm.at[pl.ds(0, B)],
                                  dbufs[i], dsems[i]).wait()
            pltpu.make_async_copy(zeros_hbm, bufs[i], sems[i]).wait()
            pltpu.sync_copy(bufs[i], acc_sh.at[dbufs[i]], add=True)

        for j in range(NBUF - 1):
            gather(j, j)

        def ring_body(bb, carry):
            base = bb * NBUF
            for j in range(NBUF):
                gather(base + j + NBUF - 1, (j + NBUF - 1) % NBUF)
                drain_scatter(base + j, j)
            return carry

        lax.fori_loop(0, (NBATCH - (NBUF - 1)) // NBUF, ring_body, 0)
        for j in range(NBUF - 1):
            drain_scatter(NBATCH - (NBUF - 1) + j, j)
        plsc.subcore_barrier()

        for t in range(IO_STEPS):
            rlo = s * ROWS_PER_TILE + t * IO_ROWS
            pltpu.sync_copy(acc_sh.at[pl.ds(rlo, IO_ROWS)], r0)
            pltpu.sync_copy(
                r0, acc_hbm.at[pl.ds((k * 2 + c) * N_PAD + rlo, IO_ROWS)])
        plsc.subcore_barrier()


def _sc_segment_sums(gidx2, dst, p_tab, q_tab, zeros):
    mesh = plsc.VectorSubcoreMesh(core_axis_name="c", subcore_axis_name="s")
    f = functools.partial(
        pl.kernel,
        out_type=jax.ShapeDtypeStruct((NCHUNK * N_PAD, LC), jnp.float32),
        mesh=mesh,
        scratch_types=[
            pltpu.VMEM((EPT,), jnp.int32),
            pltpu.VMEM((B, LC), jnp.float32),
            pltpu.VMEM((B, LC), jnp.float32),
            pltpu.VMEM((B, LC), jnp.float32),
            pltpu.VMEM((B,), jnp.int32),
            pltpu.VMEM((B,), jnp.int32),
            pltpu.VMEM((B,), jnp.int32),
            pltpu.VMEM_SHARED((N_PAD, LC), jnp.float32),
            pltpu.SemaphoreType.DMA,
            pltpu.SemaphoreType.DMA,
            pltpu.SemaphoreType.DMA,
            pltpu.SemaphoreType.DMA,
            pltpu.SemaphoreType.DMA,
            pltpu.SemaphoreType.DMA,
        ],
    )(_sc_body)
    return f(gidx2, dst, p_tab, q_tab, zeros)


def _mlp_body(d0_ref, d1_ref, n0_ref, n1_ref, x_ref,
              w1_ref, b1_ref, g1_ref, be1_ref, w2_ref, b2_ref, y_ref):
    den = jnp.concatenate([d0_ref[0], d1_ref[0]], axis=1)
    num = jnp.concatenate([n0_ref[0], n1_ref[0]], axis=1)
    agg = num / (den + 1e-16)
    out = agg + x_ref[...]
    h = jnp.dot(out.astype(jnp.bfloat16), w1_ref[...].astype(jnp.bfloat16),
                preferred_element_type=jnp.float32) + b1_ref[...]
    mu = jnp.mean(h, axis=1, keepdims=True)
    var = jnp.mean((h - mu) ** 2, axis=1, keepdims=True)
    h = (h - mu) / jnp.sqrt(var + 1e-5) * g1_ref[...] + be1_ref[...]
    h = jnp.maximum(h, 0.0)
    y_ref[...] = (jnp.dot(h.astype(jnp.bfloat16), w2_ref[...].astype(jnp.bfloat16),
                          preferred_element_type=jnp.float32) + b2_ref[...])


def _mlp(acc, x, W1, b1, g1, be1, W2, b2):
    RB = 1000
    NB = N // RB
    acc4 = acc.reshape(NCHUNK, N_PAD, LC)
    chunk_spec = lambda k: pl.BlockSpec((1, RB, LC), lambda i, k=k: (k, i, 0))
    return pl.pallas_call(
        _mlp_body,
        grid=(NB,),
        in_specs=[
            chunk_spec(0), chunk_spec(1), chunk_spec(2), chunk_spec(3),
            pl.BlockSpec((RB, D), lambda i: (i, 0)),
            pl.BlockSpec((D, H), lambda i: (0, 0)),
            pl.BlockSpec((1, H), lambda i: (0, 0)),
            pl.BlockSpec((1, H), lambda i: (0, 0)),
            pl.BlockSpec((1, H), lambda i: (0, 0)),
            pl.BlockSpec((H, D), lambda i: (0, 0)),
            pl.BlockSpec((1, D), lambda i: (0, 0)),
        ],
        out_specs=pl.BlockSpec((RB, D), lambda i: (i, 0)),
        out_shape=jax.ShapeDtypeStruct((N, D), jnp.float32),
    )(acc4, acc4, acc4, acc4, x, W1, b1.reshape(1, H), g1.reshape(1, H),
      be1.reshape(1, H), W2, b2.reshape(1, D))


def kernel(x, edge_index, W1, b1, g1, be1, W2, b2):
    src = edge_index[0]
    dst = edge_index[1]
    gidx2 = (src[None, :] + (jnp.arange(2, dtype=jnp.int32) * N)[:, None]
             ).reshape(2 * E)
    p_tab, q_tab = _prep(x)
    zeros = jnp.zeros((IO_ROWS, LC), jnp.float32)
    acc = _sc_segment_sums(gidx2, dst, p_tab, q_tab, zeros)
    return _mlp(acc, x, W1, b1, g1, be1, W2, b2)

# --- scband reference (transcript-rebuilt; emitter-appended) ---
"""Pipeline reference for scband-trajecotry-encoder-layer-59957743452741 (READ-ONLY COPY).

The authoritative reference and input builder live on the scoring server;
editing this copy changes nothing except your own understanding.
"""

import jax, jax.numpy as jnp
import numpy as np

N = 10000   # nodes
E = 160000  # edges
D = 256     # in/out channels
H = 512     # hidden (in_channels * 2, num_layers=2)
T = 1.0     # softmax inverse temperature
EPS = 1e-07 # GENConv message epsilon


def setup_inputs(seed: int = 0) -> dict:
    key = jax.random.key(seed)
    ks = jax.random.split(key, 8)
    x = jax.random.normal(ks[0], (N, D), dtype=jnp.float32)
    edge_index = jax.random.randint(ks[1], (2, E), 0, N, dtype=jnp.int32)
    # MLP params: Linear(D,H) -> LayerNorm(H) -> ReLU -> Dropout(eval) -> Linear(H,D)
    s1 = 1.0 / np.sqrt(D)
    s2 = 1.0 / np.sqrt(H)
    W1 = jax.random.uniform(ks[2], (D, H), dtype=jnp.float32, minval=-s1, maxval=s1)
    b1 = jax.random.uniform(ks[3], (H,), dtype=jnp.float32, minval=-s1, maxval=s1)
    g1 = jnp.ones((H,), dtype=jnp.float32)
    be1 = jnp.zeros((H,), dtype=jnp.float32)
    W2 = jax.random.uniform(ks[4], (H, D), dtype=jnp.float32, minval=-s2, maxval=s2)
    b2 = jax.random.uniform(ks[5], (D,), dtype=jnp.float32, minval=-s2, maxval=s2)
    return {"x": x, "edge_index": edge_index, "W1": W1, "b1": b1,
            "g1": g1, "be1": be1, "W2": W2, "b2": b2}


def reference(x, edge_index, W1, b1, g1, be1, W2, b2):
    src = edge_index[0]
    dst = edge_index[1]
    # message: ReLU(x_j) + eps  (edge_attr=None)
    x_j = jnp.take(x, src, axis=0)
    m = jax.nn.relu(x_j) + EPS
    # softmax aggregation over incoming edges per dst node (elementwise per feature)
    logits = m * T
    seg_max = jax.ops.segment_max(logits, dst, num_segments=N)
    seg_max = jnp.where(jnp.isfinite(seg_max), seg_max, 0.0)
    seg_max = jax.lax.stop_gradient(seg_max)
    ex = jnp.exp(logits - jnp.take(seg_max, dst, axis=0))
    den = jax.ops.segment_sum(ex, dst, num_segments=N)
    alpha = ex / (jnp.take(den, dst, axis=0) + 1e-16)
    agg = jax.ops.segment_sum(alpha * m, dst, num_segments=N)
    # residual: out += x_r
    out = agg + x
    # MLP: Linear -> LayerNorm -> ReLU -> (Dropout eval) -> Linear
    h = out @ W1 + b1
    mu = jnp.mean(h, axis=-1, keepdims=True)
    var = jnp.mean((h - mu) ** 2, axis=-1, keepdims=True)
    h = (h - mu) / jnp.sqrt(var + 1e-5) * g1 + be1
    h = jax.nn.relu(h)
    y = h @ W2 + b2
    return y

if __name__ == "__main__":
    import jax
    _d = setup_inputs()
    print(jax.jit(kernel)(*tuple(_d.values())))

</pallas_src>

<mosaic_0001>
#map = affine_map<(d0, d1) -> (0)>
#map1 = affine_map<(d0, d1) -> (0, 0)>
module attributes {stable_mosaic.version = 14 : i64} {
  func.func @_sc_body(%arg0: i32, %arg1: i32, %arg2: memref<320000xi32, #tpu.memory_space<hbm>>, %arg3: memref<160000xi32, #tpu.memory_space<hbm>>, %arg4: memref<20000x128xf32, #tpu.memory_space<hbm>>, %arg5: memref<20000x128xf32, #tpu.memory_space<hbm>>, %arg6: memref<80x128xf32, #tpu.memory_space<hbm>>, %arg7: memref<40960x128xf32, #tpu.memory_space<hbm>>, %arg8: memref<10000xi32, #tpu.memory_space<vmem>>, %arg9: memref<80x128xf32, #tpu.memory_space<vmem>>, %arg10: memref<80x128xf32, #tpu.memory_space<vmem>>, %arg11: memref<80x128xf32, #tpu.memory_space<vmem>>, %arg12: memref<80xi32, #tpu.memory_space<vmem>>, %arg13: memref<80xi32, #tpu.memory_space<vmem>>, %arg14: memref<80xi32, #tpu.memory_space<vmem>>, %arg15: memref<10240x128xf32, #tpu.memory_space<vmem_shared>>, %arg16: memref<!tpu.dma_semaphore, #tpu.memory_space<semaphore_mem>>, %arg17: memref<!tpu.dma_semaphore, #tpu.memory_space<semaphore_mem>>, %arg18: memref<!tpu.dma_semaphore, #tpu.memory_space<semaphore_mem>>, %arg19: memref<!tpu.dma_semaphore, #tpu.memory_space<semaphore_mem>>, %arg20: memref<!tpu.dma_semaphore, #tpu.memory_space<semaphore_mem>>, %arg21: memref<!tpu.dma_semaphore, #tpu.memory_space<semaphore_mem>>) attributes {dimension_semantics = [#tpu.dimension_semantics<core_parallel>, #tpu.dimension_semantics<subcore_parallel>], iteration_bounds = array<i64: 2, 16>, scalar_prefetch = 0 : i64, scratch_operands = 14 : i64, tpu.core_type = #tpu.core_type<sc_vector_subcore>, window_params = [{transform_indices = #map}, {transform_indices = #map}, {transform_indices = #map1}, {transform_indices = #map1}, {transform_indices = #map1}, {transform_indices = #map1}]} {
    %mul3A = arith.constant 10000 : i32
    %mul3A_0 = arith.muli %arg1, %mul3A : i32
    %mul3A_1 = arith.constant 160000 : i32
    %mul3A_2 = arith.muli %arg0, %mul3A_1 : i32
    %add3A = arith.addi %mul3A_2, %mul3A_0 : i32
    "tpu.region"() ({
      %run_scoped3A = tpu.sem_alloc : memref<!tpu.dma_semaphore, #tpu.memory_space<semaphore_mem>>
      %dma_start3A_277 = tpu.memref_slice %arg2[%add3A] : memref<320000xi32, #tpu.memory_space<hbm>> -> memref<10000xi32, #tpu.memory_space<hbm>>
      %dma_start3A_278 = tpu.memref_slice %arg2[%add3A] : memref<320000xi32, #tpu.memory_space<hbm>> -> memref<10000xi32, #tpu.memory_space<hbm>>
      tpu.enqueue_dma source(%dma_start3A_278 : memref<10000xi32, #tpu.memory_space<hbm>>) target(%arg8 : memref<10000xi32, #tpu.memory_space<vmem>>) target_semaphore(%run_scoped3A : memref<!tpu.dma_semaphore, #tpu.memory_space<semaphore_mem>>)
      %dma_wait3A_279 = tpu.memref_slice %arg2[%add3A] : memref<320000xi32, #tpu.memory_space<hbm>> -> memref<10000xi32, #tpu.memory_space<hbm>>
      %dma_wait3A_280 = tpu.memref_slice %arg2[%add3A] : memref<320000xi32, #tpu.memory_space<hbm>> -> memref<10000xi32, #tpu.memory_space<hbm>>
      tpu.wait_dma2 semaphore(%run_scoped3A : memref<!tpu.dma_semaphore, #tpu.memory_space<semaphore_mem>>) src(%dma_wait3A_280 : memref<10000xi32, #tpu.memory_space<hbm>>) dst(%arg8 : memref<10000xi32, #tpu.memory_space<vmem>>)
      tpu.yield
    }) : () -> ()
    "tpu.region"() ({
      %run_scoped3A = tpu.sem_alloc : memref<!tpu.dma_semaphore, #tpu.memory_space<semaphore_mem>>
      tpu.enqueue_dma source(%arg6 : memref<80x128xf32, #tpu.memory_space<hbm>>) target(%arg9 : memref<80x128xf32, #tpu.memory_space<vmem>>) target_semaphore(%run_scoped3A : memref<!tpu.dma_semaphore, #tpu.memory_space<semaphore_mem>>)
      tpu.wait_dma2 semaphore(%run_scoped3A : memref<!tpu.dma_semaphore, #tpu.memory_space<semaphore_mem>>) src(%arg6 : memref<80x128xf32, #tpu.memory_space<hbm>>) dst(%arg9 : memref<80x128xf32, #tpu.memory_space<vmem>>)
      tpu.yield
    }) : () -> ()
    %mul3A_3 = arith.constant 640 : i32
    %mul3A_4 = arith.muli %arg1, %mul3A_3 : i32
    %add3A_5 = arith.constant 0 : i32
    %add3A_6 = arith.addi %mul3A_4, %add3A_5 : i32
    "tpu.region"() ({
      %run_scoped3A = tpu.sem_alloc : memref<!tpu.dma_semaphore, #tpu.memory_space<semaphore_mem>>
      %dma_start3A_277 = arith.constant 0 : i32
      %dma_start3A_278 = tpu.memref_slice %arg15[%add3A_6, %dma_start3A_277] : memref<10240x128xf32, #tpu.memory_space<vmem_shared>> -> memref<80x128xf32, #tpu.memory_space<vmem_shared>>
      %dma_start3A_279 = arith.constant 0 : i32
      %dma_start3A_280 = tpu.memref_slice %arg15[%add3A_6, %dma_start3A_279] : memref<10240x128xf32, #tpu.memory_space<vmem_shared>> -> memref<80x128xf32, #tpu.memory_space<vmem_shared>>
      tpu.enqueue_dma source(%arg9 : memref<80x128xf32, #tpu.memory_space<vmem>>) target(%dma_start3A_280 : memref<80x128xf32, #tpu.memory_space<vmem_shared>>) target_semaphore(%run_scoped3A : memref<!tpu.dma_semaphore, #tpu.memory_space<semaphore_mem>>)
      %dma_wait3A_281 = arith.constant 0 : i32
      %dma_wait3A_282 = tpu.memref_slice %arg15[%add3A_6, %dma_wait3A_281] : memref<10240x128xf32, #tpu.memory_space<vmem_shared>> -> memref<80x128xf32, #tpu.memory_space<vmem_shared>>
      %dma_wait3A_283 = arith.constant 0 : i32
      %dma_wait3A_284 = tpu.memref_slice %arg15[%add3A_6, %dma_wait3A_283] : memref<10240x128xf32, #tpu.memory_space<vmem_shared>> -> memref<80x128xf32, #tpu.memory_space<vmem_shared>>
      tpu.wait_dma2 semaphore(%run_scoped3A : memref<!tpu.dma_semaphore, #tpu.memory_space<semaphore_mem>>) src(%arg9 : memref<80x128xf32, #tpu.memory_space<vmem>>) dst(%dma_wait3A_284 : memref<80x128xf32, #tpu.memory_space<vmem_shared>>)
      tpu.yield
    }) : () -> ()
    %mul3A_7 = arith.constant 640 : i32
    %mul3A_8 = arith.muli %arg1, %mul3A_7 : i32
    %add3A_9 = arith.constant 80 : i32
    %add3A_10 = arith.addi %mul3A_8, %add3A_9 : i32
    "tpu.region"() ({
      %run_scoped3A = tpu.sem_alloc : memref<!tpu.dma_semaphore, #tpu.memory_space<semaphore_mem>>
      %dma_start3A_277 = arith.constant 0 : i32
      %dma_start3A_278 = tpu.memref_slice %arg15[%add3A_10, %dma_start3A_277] : memref<10240x128xf32, #tpu.memory_space<vmem_shared>> -> memref<80x128xf32, #tpu.memory_space<vmem_shared>>
      %dma_start3A_279 = arith.constant 0 : i32
      %dma_start3A_280 = tpu.memref_slice %arg15[%add3A_10, %dma_start3A_279] : memref<10240x128xf32, #tpu.memory_space<vmem_shared>> -> memref<80x128xf32, #tpu.memory_space<vmem_shared>>
      tpu.enqueue_dma source(%arg9 : memref<80x128xf32, #tpu.memory_space<vmem>>) target(%dma_start3A_280 : memref<80x128xf32, #tpu.memory_space<vmem_shared>>) target_semaphore(%run_scoped3A : memref<!tpu.dma_semaphore, #tpu.memory_space<semaphore_mem>>)
      %dma_wait3A_281 = arith.constant 0 : i32
      %dma_wait3A_282 = tpu.memref_slice %arg15[%add3A_10, %dma_wait3A_281] : memref<10240x128xf32, #tpu.memory_space<vmem_shared>> -> memref<80x128xf32, #tpu.memory_space<vmem_shared>>
      %dma_wait3A_283 = arith.constant 0 : i32
      %dma_wait3A_284 = tpu.memref_slice %arg15[%add3A_10, %dma_wait3A_283] : memref<10240x128xf32, #tpu.memory_space<vmem_shared>> -> memref<80x128xf32, #tpu.memory_space<vmem_shared>>
      tpu.wait_dma2 semaphore(%run_scoped3A : memref<!tpu.dma_semaphore, #tpu.memory_space<semaphore_mem>>) src(%arg9 : memref<80x128xf32, #tpu.memory_space<vmem>>) dst(%dma_wait3A_284 : memref<80x128xf32, #tpu.memory_space<vmem_shared>>)
      tpu.yield
    }) : () -> ()
    %mul3A_11 = arith.constant 640 : i32
    %mul3A_12 = arith.muli %arg1, %mul3A_11 : i32
    %add3A_13 = arith.constant 160 : i32
    %add3A_14 = arith.addi %mul3A_12, %add3A_13 : i32
    "tpu.region"() ({
      %run_scoped3A = tpu.sem_alloc : memref<!tpu.dma_semaphore, #tpu.memory_space<semaphore_mem>>
      %dma_start3A_277 = arith.constant 0 : i32
      %dma_start3A_278 = tpu.memref_slice %arg15[%add3A_14, %dma_start3A_277] : memref<10240x128xf32, #tpu.memory_space<vmem_shared>> -> memref<80x128xf32, #tpu.memory_space<vmem_shared>>
      %dma_start3A_279 = arith.constant 0 : i32
      %dma_start3A_280 = tpu.memref_slice %arg15[%add3A_14, %dma_start3A_279] : memref<10240x128xf32, #tpu.memory_space<vmem_shared>> -> memref<80x128xf32, #tpu.memory_space<vmem_shared>>
      tpu.enqueue_dma source(%arg9 : memref<80x128xf32, #tpu.memory_space<vmem>>) target(%dma_start3A_280 : memref<80x128xf32, #tpu.memory_space<vmem_shared>>) target_semaphore(%run_scoped3A : memref<!tpu.dma_semaphore, #tpu.memory_space<semaphore_mem>>)
      %dma_wait3A_281 = arith.constant 0 : i32
      %dma_wait3A_282 = tpu.memref_slice %arg15[%add3A_14, %dma_wait3A_281] : memref<10240x128xf32, #tpu.memory_space<vmem_shared>> -> memref<80x128xf32, #tpu.memory_space<vmem_shared>>
      %dma_wait3A_283 = arith.constant 0 : i32
      %dma_wait3A_284 = tpu.memref_slice %arg15[%add3A_14, %dma_wait3A_283] : memref<10240x128xf32, #tpu.memory_space<vmem_shared>> -> memref<80x128xf32, #tpu.memory_space<vmem_shared>>
      tpu.wait_dma2 semaphore(%run_scoped3A : memref<!tpu.dma_semaphore, #tpu.memory_space<semaphore_mem>>) src(%arg9 : memref<80x128xf32, #tpu.memory_space<vmem>>) dst(%dma_wait3A_284 : memref<80x128xf32, #tpu.memory_space<vmem_shared>>)
      tpu.yield
    }) : () -> ()
    %mul3A_15 = arith.constant 640 : i32
    %mul3A_16 = arith.muli %arg1, %mul3A_15 : i32
    %add3A_17 = arith.constant 240 : i32
    %add3A_18 = arith.addi %mul3A_16, %add3A_17 : i32
    "tpu.region"() ({
      %run_scoped3A = tpu.sem_alloc : memref<!tpu.dma_semaphore, #tpu.memory_space<semaphore_mem>>
      %dma_start3A_277 = arith.constant 0 : i32
      %dma_start3A_278 = tpu.memref_slice %arg15[%add3A_18, %dma_start3A_277] : memref<10240x128xf32, #tpu.memory_space<vmem_shared>> -> memref<80x128xf32, #tpu.memory_space<vmem_shared>>
      %dma_start3A_279 = arith.constant 0 : i32
      %dma_start3A_280 = tpu.memref_slice %arg15[%add3A_18, %dma_start3A_279] : memref<10240x128xf32, #tpu.memory_space<vmem_shared>> -> memref<80x128xf32, #tpu.memory_space<vmem_shared>>
      tpu.enqueue_dma source(%arg9 : memref<80x128xf32, #tpu.memory_space<vmem>>) target(%dma_start3A_280 : memref<80x128xf32, #tpu.memory_space<vmem_shared>>) target_semaphore(%run_scoped3A : memref<!tpu.dma_semaphore, #tpu.memory_space<semaphore_mem>>)
      %dma_wait3A_281 = arith.constant 0 : i32
      %dma_wait3A_282 = tpu.memref_slice %arg15[%add3A_18, %dma_wait3A_281] : memref<10240x128xf32, #tpu.memory_space<vmem_shared>> -> memref<80x128xf32, #tpu.memory_space<vmem_shared>>
      %dma_wait3A_283 = arith.constant 0 : i32
      %dma_wait3A_284 = tpu.memref_slice %arg15[%add3A_18, %dma_wait3A_283] : memref<10240x128xf32, #tpu.memory_space<vmem_shared>> -> memref<80x128xf32, #tpu.memory_space<vmem_shared>>
      tpu.wait_dma2 semaphore(%run_scoped3A : memref<!tpu.dma_semaphore, #tpu.memory_space<semaphore_mem>>) src(%arg9 : memref<80x128xf32, #tpu.memory_space<vmem>>) dst(%dma_wait3A_284 : memref<80x128xf32, #tpu.memory_space<vmem_shared>>)
      tpu.yield
    }) : () -> ()
    %mul3A_19 = arith.constant 640 : i32
    %mul3A_20 = arith.muli %arg1, %mul3A_19 : i32
    %add3A_21 = arith.constant 320 : i32
    %add3A_22 = arith.addi %mul3A_20, %add3A_21 : i32
    "tpu.region"() ({
      %run_scoped3A = tpu.sem_alloc : memref<!tpu.dma_semaphore, #tpu.memory_space<semaphore_mem>>
      %dma_start3A_277 = arith.constant 0 : i32
      %dma_start3A_278 = tpu.memref_slice %arg15[%add3A_22, %dma_start3A_277] : memref<10240x128xf32, #tpu.memory_space<vmem_shared>> -> memref<80x128xf32, #tpu.memory_space<vmem_shared>>
      %dma_start3A_279 = arith.constant 0 : i32
      %dma_start3A_280 = tpu.memref_slice %arg15[%add3A_22, %dma_start3A_279] : memref<10240x128xf32, #tpu.memory_space<vmem_shared>> -> memref<80x128xf32, #tpu.memory_space<vmem_shared>>
      tpu.enqueue_dma source(%arg9 : memref<80x128xf32, #tpu.memory_space<vmem>>) target(%dma_start3A_280 : memref<80x128xf32, #tpu.memory_space<vmem_shared>>) target_semaphore(%run_scoped3A : memref<!tpu.dma_semaphore, #tpu.memory_space<semaphore_mem>>)
      %dma_wait3A_281 = arith.constant 0 : i32
      %dma_wait3A_282 = tpu.memref_slice %arg15[%add3A_22, %dma_wait3A_281] : memref<10240x128xf32, #tpu.memory_space<vmem_shared>> -> memref<80x128xf32, #tpu.memory_space<vmem_shared>>
      %dma_wait3A_283 = arith.constant 0 : i32
      %dma_wait3A_284 = tpu.memref_slice %arg15[%add3A_22, %dma_wait3A_283] : memref<10240x128xf32, #tpu.memory_space<vmem_shared>> -> memref<80x128xf32, #tpu.memory_space<vmem_shared>>
      tpu.wait_dma2 semaphore(%run_scoped3A : memref<!tpu.dma_semaphore, #tpu.memory_space<semaphore_mem>>) src(%arg9 : memref<80x128xf32, #tpu.memory_space<vmem>>) dst(%dma_wait3A_284 : memref<80x128xf32, #tpu.memory_space<vmem_shared>>)
      tpu.yield
    }) : () -> ()
    %mul3A_23 = arith.constant 640 : i32
    %mul3A_24 = arith.muli %arg1, %mul3A_23 : i32
    %add3A_25 = arith.constant 400 : i32
    %add3A_26 = arith.addi %mul3A_24, %add3A_25 : i32
    "tpu.region"() ({
      %run_scoped3A = tpu.sem_alloc : memref<!tpu.dma_semaphore, #tpu.memory_space<semaphore_mem>>
      %dma_start3A_277 = arith.constant 0 : i32
      %dma_start3A_278 = tpu.memref_slice %arg15[%add3A_26, %dma_start3A_277] : memref<10240x128xf32, #tpu.memory_space<vmem_shared>> -> memref<80x128xf32, #tpu.memory_space<vmem_shared>>
      %dma_start3A_279 = arith.constant 0 : i32
      %dma_start3A_280 = tpu.memref_slice %arg15[%add3A_26, %dma_start3A_279] : memref<10240x128xf32, #tpu.memory_space<vmem_shared>> -> memref<80x128xf32, #tpu.memory_space<vmem_shared>>
      tpu.enqueue_dma source(%arg9 : memref<80x128xf32, #tpu.memory_space<vmem>>) target(%dma_start3A_280 : memref<80x128xf32, #tpu.memory_space<vmem_shared>>) target_semaphore(%run_scoped3A : memref<!tpu.dma_semaphore, #tpu.memory_space<semaphore_mem>>)
      %dma_wait3A_281 = arith.constant 0 : i32
      %dma_wait3A_282 = tpu.memref_slice %arg15[%add3A_26, %dma_wait3A_281] : memref<10240x128xf32, #tpu.memory_space<vmem_shared>> -> memref<80x128xf32, #tpu.memory_space<vmem_shared>>
      %dma_wait3A_283 = arith.constant 0 : i32
      %dma_wait3A_284 = tpu.memref_slice %arg15[%add3A_26, %dma_wait3A_283] : memref<10240x128xf32, #tpu.memory_space<vmem_shared>> -> memref<80x128xf32, #tpu.memory_space<vmem_shared>>
      tpu.wait_dma2 semaphore(%run_scoped3A : memref<!tpu.dma_semaphore, #tpu.memory_space<semaphore_mem>>) src(%arg9 : memref<80x128xf32, #tpu.memory_space<vmem>>) dst(%dma_wait3A_284 : memref<80x128xf32, #tpu.memory_space<vmem_shared>>)
      tpu.yield
    }) : () -> ()
    %mul3A_27 = arith.constant 640 : i32
    %mul3A_28 = arith.muli %arg1, %mul3A_27 : i32
    %add3A_29 = arith.constant 480 : i32
    %add3A_30 = arith.addi %mul3A_28, %add3A_29 : i32
    "tpu.region"() ({
      %run_scoped3A = tpu.sem_alloc : memref<!tpu.dma_semaphore, #tpu.memory_space<semaphore_mem>>
      %dma_start3A_277 = arith.constant 0 : i32
      %dma_start3A_278 = tpu.memref_slice %arg15[%add3A_30, %dma_start3A_277] : memref<10240x128xf32, #tpu.memory_space<vmem_shared>> -> memref<80x128xf32, #tpu.memory_space<vmem_shared>>
      %dma_start3A_279 = arith.constant 0 : i32
      %dma_start3A_280 = tpu.memref_slice %arg15[%add3A_30, %dma_start3A_279] : memref<10240x128xf32, #tpu.memory_space<vmem_shared>> -> memref<80x128xf32, #tpu.memory_space<vmem_shared>>
      tpu.enqueue_dma source(%arg9 : memref<80x128xf32, #tpu.memory_space<vmem>>) target(%dma_start3A_280 : memref<80x128xf32, #tpu.memory_space<vmem_shared>>) target_semaphore(%run_scoped3A : memref<!tpu.dma_semaphore, #tpu.memory_space<semaphore_mem>>)
      %dma_wait3A_281 = arith.constant 0 : i32
      %dma_wait3A_282 = tpu.memref_slice %arg15[%add3A_30, %dma_wait3A_281] : memref<10240x128xf32, #tpu.memory_space<vmem_shared>> -> memref<80x128xf32, #tpu.memory_space<vmem_shared>>
      %dma_wait3A_283 = arith.constant 0 : i32
      %dma_wait3A_284 = tpu.memref_slice %arg15[%add3A_30, %dma_wait3A_283] : memref<10240x128xf32, #tpu.memory_space<vmem_shared>> -> memref<80x128xf32, #tpu.memory_space<vmem_shared>>
      tpu.wait_dma2 semaphore(%run_scoped3A : memref<!tpu.dma_semaphore, #tpu.memory_space<semaphore_mem>>) src(%arg9 : memref<80x128xf32, #tpu.memory_space<vmem>>) dst(%dma_wait3A_284 : memref<80x128xf32, #tpu.memory_space<vmem_shared>>)
      tpu.yield
    }) : () -> ()
    %mul3A_31 = arith.constant 640 : i32
    %mul3A_32 = arith.muli %arg1, %mul3A_31 : i32
    %add3A_33 = arith.constant 560 : i32
    %add3A_34 = arith.addi %mul3A_32, %add3A_33 : i32
    "tpu.region"() ({
      %run_scoped3A = tpu.sem_alloc : memref<!tpu.dma_semaphore, #tpu.memory_space<semaphore_mem>>
      %dma_start3A_277 = arith.constant 0 : i32
      %dma_start3A_278 = tpu.memref_slice %arg15[%add3A_34, %dma_start3A_277] : memref<10240x128xf32, #tpu.memory_space<vmem_shared>> -> memref<80x128xf32, #tpu.memory_space<vmem_shared>>
      %dma_start3A_279 = arith.constant 0 : i32
      %dma_start3A_280 = tpu.memref_slice %arg15[%add3A_34, %dma_start3A_279] : memref<10240x128xf32, #tpu.memory_space<vmem_shared>> -> memref<80x128xf32, #tpu.memory_space<vmem_shared>>
      tpu.enqueue_dma source(%arg9 : memref<80x128xf32, #tpu.memory_space<vmem>>) target(%dma_start3A_280 : memref<80x128xf32, #tpu.memory_space<vmem_shared>>) target_semaphore(%run_scoped3A : memref<!tpu.dma_semaphore, #tpu.memory_space<semaphore_mem>>)
      %dma_wait3A_281 = arith.constant 0 : i32
      %dma_wait3A_282 = tpu.memref_slice %arg15[%add3A_34, %dma_wait3A_281] : memref<10240x128xf32, #tpu.memory_space<vmem_shared>> -> memref<80x128xf32, #tpu.memory_space<vmem_shared>>
      %dma_wait3A_283 = arith.constant 0 : i32
      %dma_wait3A_284 = tpu.memref_slice %arg15[%add3A_34, %dma_wait3A_283] : memref<10240x128xf32, #tpu.memory_space<vmem_shared>> -> memref<80x128xf32, #tpu.memory_space<vmem_shared>>
      tpu.wait_dma2 semaphore(%run_scoped3A : memref<!tpu.dma_semaphore, #tpu.memory_space<semaphore_mem>>) src(%arg9 : memref<80x128xf32, #tpu.memory_space<vmem>>) dst(%dma_wait3A_284 : memref<80x128xf32, #tpu.memory_space<vmem_shared>>)
      tpu.yield
    }) : () -> ()
    %barrier3A = arith.constant 0 : index
    tpu.barrier barrier_id(%barrier3A)
    %add3A_35 = arith.constant 0 : i32
    %add3A_36 = arith.addi %mul3A_0, %add3A_35 : i32
    %dma_start3A = tpu.memref_slice %arg3[%add3A_36] : memref<160000xi32, #tpu.memory_space<hbm>> -> memref<80xi32, #tpu.memory_space<hbm>>
    %dma_start3A_37 = tpu.memref_slice %arg3[%add3A_36] : memref<160000xi32, #tpu.memory_space<hbm>> -> memref<80xi32, #tpu.memory_space<hbm>>
    tpu.enqueue_dma source(%dma_start3A_37 : memref<80xi32, #tpu.memory_space<hbm>>) target(%arg12 : memref<80xi32, #tpu.memory_space<vmem>>) target_semaphore(%arg19 : memref<!tpu.dma_semaphore, #tpu.memory_space<semaphore_mem>>)
    %dma_start3A_38 = arith.constant 0 : i32
    %dma_start3A_39 = tpu.memref_slice %arg8[%dma_start3A_38] : memref<10000xi32, #tpu.memory_space<vmem>> -> memref<80xi32, #tpu.memory_space<vmem>>
    %dma_start3A_40 = arith.constant 0 : i32
    %dma_start3A_41 = arith.constant 0 : i32
    %dma_start3A_42 = tpu.memref_slice %arg4[%dma_start3A_40, %dma_start3A_41] : memref<20000x128xf32, #tpu.memory_space<hbm>> -> memref<20000x128xf32, #tpu.memory_space<hbm>>
    tpu.enqueue_indirect_dma source(%dma_start3A_42 : memref<20000x128xf32, #tpu.memory_space<hbm>>) target(%arg9 : memref<80x128xf32, #tpu.memory_space<vmem>>) offsets(%dma_start3A_39 : memref<80xi32, #tpu.memory_space<vmem>>) semaphore(%arg16 : memref<!tpu.dma_semaphore, #tpu.memory_space<semaphore_mem>>)
    %add3A_43 = arith.constant 80 : i32
    %add3A_44 = arith.addi %mul3A_0, %add3A_43 : i32
    %dma_start3A_45 = tpu.memref_slice %arg3[%add3A_44] : memref<160000xi32, #tpu.memory_space<hbm>> -> memref<80xi32, #tpu.memory_space<hbm>>
    %dma_start3A_46 = tpu.memref_slice %arg3[%add3A_44] : memref<160000xi32, #tpu.memory_space<hbm>> -> memref<80xi32, #tpu.memory_space<hbm>>
    tpu.enqueue_dma source(%dma_start3A_46 : memref<80xi32, #tpu.memory_space<hbm>>) target(%arg13 : memref<80xi32, #tpu.memory_space<vmem>>) target_semaphore(%arg20 : memref<!tpu.dma_semaphore, #tpu.memory_space<semaphore_mem>>)
    %dma_start3A_47 = arith.constant 80 : i32
    %dma_start3A_48 = tpu.memref_slice %arg8[%dma_start3A_47] : memref<10000xi32, #tpu.memory_space<vmem>> -> memref<80xi32, #tpu.memory_space<vmem>>
    %dma_start3A_49 = arith.constant 0 : i32
    %dma_start3A_50 = arith.constant 0 : i32
    %dma_start3A_51 = tpu.memref_slice %arg4[%dma_start3A_49, %dma_start3A_50] : memref<20000x128xf32, #tpu.memory_space<hbm>> -> memref<20000x128xf32, #tpu.memory_space<hbm>>
    tpu.enqueue_indirect_dma source(%dma_start3A_51 : memref<20000x128xf32, #tpu.memory_space<hbm>>) target(%arg10 : memref<80x128xf32, #tpu.memory_space<vmem>>) offsets(%dma_start3A_48 : memref<80xi32, #tpu.memory_space<vmem>>) semaphore(%arg17 : memref<!tpu.dma_semaphore, #tpu.memory_space<semaphore_mem>>)
    %scan3A = arith.constant 0 : i32
    %scan3A_52 = arith.constant 0 : i32
    %scan3A_53 = arith.constant 41 : i32
    %scan3A_54 = arith.addi %scan3A_52, %scan3A_53 : i32
    %scan3A_55 = arith.constant 1 : i32
    scf.for %scan3A_277 = %scan3A_52 to %scan3A_54 step %scan3A_55  : i32 {
      %mul3A_278 = arith.constant 3 : i32
      %mul3A_279 = arith.muli %scan3A_277, %mul3A_278 : i32
      %add3A_280 = arith.constant 0 : i32
      %add3A_281 = arith.addi %mul3A_279, %add3A_280 : i32
      %add3A_282 = arith.constant 3 : i32
      %add3A_283 = arith.addi %add3A_281, %add3A_282 : i32
      %sub3A = arith.constant 1 : i32
      %sub3A_284 = arith.subi %add3A_283, %sub3A : i32
      %mul3A_285 = arith.constant 80 : i32
      %mul3A_286 = arith.muli %sub3A_284, %mul3A_285 : i32
      %add3A_287 = arith.addi %mul3A_0, %mul3A_286 : i32
      %dma_start3A_288 = tpu.memref_slice %arg3[%add3A_287] : memref<160000xi32, #tpu.memory_space<hbm>> -> memref<80xi32, #tpu.memory_space<hbm>>
      %dma_start3A_289 = tpu.memref_slice %arg3[%add3A_287] : memref<160000xi32, #tpu.memory_space<hbm>> -> memref<80xi32, #tpu.memory_space<hbm>>
      tpu.enqueue_dma source(%dma_start3A_289 : memref<80xi32, #tpu.memory_space<hbm>>) target(%arg14 : memref<80xi32, #tpu.memory_space<vmem>>) target_semaphore(%arg21 : memref<!tpu.dma_semaphore, #tpu.memory_space<semaphore_mem>>)
      %mul3A_290 = arith.constant 80 : i32
      %mul3A_291 = arith.muli %sub3A_284, %mul3A_290 : i32
      %dma_start3A_292 = tpu.memref_slice %arg8[%mul3A_291] : memref<10000xi32, #tpu.memory_space<vmem>> -> memref<80xi32, #tpu.memory_space<vmem>>
      %dma_start3A_293 = arith.constant 0 : i32
      %dma_start3A_294 = arith.constant 0 : i32
      %dma_start3A_295 = tpu.memref_slice %arg4[%dma_start3A_293, %dma_start3A_294] : memref<20000x128xf32, #tpu.memory_space<hbm>> -> memref<20000x128xf32, #tpu.memory_space<hbm>>
      tpu.enqueue_indirect_dma source(%dma_start3A_295 : memref<20000x128xf32, #tpu.memory_space<hbm>>) target(%arg11 : memref<80x128xf32, #tpu.memory_space<vmem>>) offsets(%dma_start3A_292 : memref<80xi32, #tpu.memory_space<vmem>>) semaphore(%arg18 : memref<!tpu.dma_semaphore, #tpu.memory_space<semaphore_mem>>)
      %add3A_296 = arith.constant 0 : i32
      %add3A_297 = arith.addi %mul3A_279, %add3A_296 : i32
      %dma_wait3A_298 = arith.constant 0 : i32
      %dma_wait3A_299 = tpu.memref_slice %arg3[%dma_wait3A_298] : memref<160000xi32, #tpu.memory_space<hbm>> -> memref<80xi32, #tpu.memory_space<hbm>>
      %dma_wait3A_300 = arith.constant 0 : i32
      %dma_wait3A_301 = tpu.memref_slice %arg3[%dma_wait3A_300] : memref<160000xi32, #tpu.memory_space<hbm>> -> memref<80xi32, #tpu.memory_space<hbm>>
      tpu.wait_dma2 semaphore(%arg19 : memref<!tpu.dma_semaphore, #tpu.memory_space<semaphore_mem>>) src(%dma_wait3A_301 : memref<80xi32, #tpu.memory_space<hbm>>) dst(%arg12 : memref<80xi32, #tpu.memory_space<vmem>>)
      tpu.wait_dma2 semaphore(%arg16 : memref<!tpu.dma_semaphore, #tpu.memory_space<semaphore_mem>>) src(%arg6 : memref<80x128xf32, #tpu.memory_space<hbm>>) dst(%arg9 : memref<80x128xf32, #tpu.memory_space<vmem>>)
      "tpu.region"() ({
        %run_scoped3A = tpu.sem_alloc : memref<!tpu.dma_semaphore, #tpu.memory_space<semaphore_mem>>
        %dma_start3A_348 = arith.constant 0 : i32
        %dma_start3A_349 = arith.constant 0 : i32
        %dma_start3A_350 = tpu.memref_slice %arg15[%dma_start3A_348, %dma_start3A_349] : memref<10240x128xf32, #tpu.memory_space<vmem_shared>> -> memref<10240x128xf32, #tpu.memory_space<vmem_shared>>
        tpu.enqueue_indirect_dma source(%arg9 : memref<80x128xf32, #tpu.memory_space<vmem>>) target(%dma_start3A_350 : memref<10240x128xf32, #tpu.memory_space<vmem_shared>>) offsets(%arg12 : memref<80xi32, #tpu.memory_space<vmem>>) semaphore(%run_scoped3A : memref<!tpu.dma_semaphore, #tpu.memory_space<semaphore_mem>>) {add = true}
        %dma_wait3A_351 = arith.constant 0 : i32
        %dma_wait3A_352 = arith.constant 0 : i32
        %dma_wait3A_353 = tpu.memref_slice %arg15[%dma_wait3A_351, %dma_wait3A_352] : memref<10240x128xf32, #tpu.memory_space<vmem_shared>> -> memref<10240x128xf32, #tpu.memory_space<vmem_shared>>
        tpu.wait_indirect_dma semaphore(%run_scoped3A : memref<!tpu.dma_semaphore, #tpu.memory_space<semaphore_mem>>) src(%arg9 : memref<80x128xf32, #tpu.memory_space<vmem>>) dst(%dma_wait3A_353 : memref<10240x128xf32, #tpu.memory_space<vmem_shared>>)
        tpu.yield
      }) : () -> ()
      %add3A_302 = arith.constant 1 : i32
      %add3A_303 = arith.addi %mul3A_279, %add3A_302 : i32
      %add3A_304 = arith.constant 3 : i32
      %add3A_305 = arith.addi %add3A_303, %add3A_304 : i32
      %sub3A_306 = arith.constant 1 : i32
      %sub3A_307 = arith.subi %add3A_305, %sub3A_306 : i32
      %mul3A_308 = arith.constant 80 : i32
      %mul3A_309 = arith.muli %sub3A_307, %mul3A_308 : i32
      %add3A_310 = arith.addi %mul3A_0, %mul3A_309 : i32
      %dma_start3A_311 = tpu.memref_slice %arg3[%add3A_310] : memref<160000xi32, #tpu.memory_space<hbm>> -> memref<80xi32, #tpu.memory_space<hbm>>
      %dma_start3A_312 = tpu.memref_slice %arg3[%add3A_310] : memref<160000xi32, #tpu.memory_space<hbm>> -> memref<80xi32, #tpu.memory_space<hbm>>
      tpu.enqueue_dma source(%dma_start3A_312 : memref<80xi32, #tpu.memory_space<hbm>>) target(%arg12 : memref<80xi32, #tpu.memory_space<vmem>>) target_semaphore(%arg19 : memref<!tpu.dma_semaphore, #tpu.memory_space<semaphore_mem>>)
      %mul3A_313 = arith.constant 80 : i32
      %mul3A_314 = arith.muli %sub3A_307, %mul3A_313 : i32
      %dma_start3A_315 = tpu.memref_slice %arg8[%mul3A_314] : memref<10000xi32, #tpu.memory_space<vmem>> -> memref<80xi32, #tpu.memory_space<vmem>>
      %dma_start3A_316 = arith.constant 0 : i32
      %dma_start3A_317 = arith.constant 0 : i32
      %dma_start3A_318 = tpu.memref_slice %arg4[%dma_start3A_316, %dma_start3A_317] : memref<20000x128xf32, #tpu.memory_space<hbm>> -> memref<20000x128xf32, #tpu.memory_space<hbm>>
      tpu.enqueue_indirect_dma source(%dma_start3A_318 : memref<20000x128xf32, #tpu.memory_space<hbm>>) target(%arg9 : memref<80x128xf32, #tpu.memory_space<vmem>>) offsets(%dma_start3A_315 : memref<80xi32, #tpu.memory_space<vmem>>) semaphore(%arg16 : memref<!tpu.dma_semaphore, #tpu.memory_space<semaphore_mem>>)
      %add3A_319 = arith.constant 1 : i32
      %add3A_320 = arith.addi %mul3A_279, %add3A_319 : i32
      %dma_wait3A_321 = arith.constant 0 : i32
      %dma_wait3A_322 = tpu.memref_slice %arg3[%dma_wait3A_321] : memref<160000xi32, #tpu.memory_space<hbm>> -> memref<80xi32, #tpu.memory_space<hbm>>
      %dma_wait3A_323 = arith.constant 0 : i32
      %dma_wait3A_324 = tpu.memref_slice %arg3[%dma_wait3A_323] : memref<160000xi32, #tpu.memory_space<hbm>> -> memref<80xi32, #tpu.memory_space<hbm>>
      tpu.wait_dma2 semaphore(%arg20 : memref<!tpu.dma_semaphore, #tpu.memory_space<semaphore_mem>>) src(%dma_wait3A_324 : memref<80xi32, #tpu.memory_space<hbm>>) dst(%arg13 : memref<80xi32, #tpu.memory_space<vmem>>)
      tpu.wait_dma2 semaphore(%arg17 : memref<!tpu.dma_semaphore, #tpu.memory_space<semaphore_mem>>) src(%arg6 : memref<80x128xf32, #tpu.memory_space<hbm>>) dst(%arg10 : memref<80x128xf32, #tpu.memory_space<vmem>>)
      "tpu.region"() ({
        %run_scoped3A = tpu.sem_alloc : memref<!tpu.dma_semaphore, #tpu.memory_space<semaphore_mem>>
        %dma_start3A_348 = arith.constant 0 : i32
        %dma_start3A_349 = arith.constant 0 : i32
        %dma_start3A_350 = tpu.memref_slice %arg15[%dma_start3A_348, %dma_start3A_349] : memref<10240x128xf32, #tpu.memory_space<vmem_shared>> -> memref<10240x128xf32, #tpu.memory_space<vmem_shared>>
        tpu.enqueue_indirect_dma source(%arg10 : memref<80x128xf32, #tpu.memory_space<vmem>>) target(%dma_start3A_350 : memref<10240x128xf32, #tpu.memory_space<vmem_shared>>) offsets(%arg13 : memref<80xi32, #tpu.memory_space<vmem>>) semaphore(%run_scoped3A : memref<!tpu.dma_semaphore, #tpu.memory_space<semaphore_mem>>) {add = true}
        %dma_wait3A_351 = arith.constant 0 : i32
        %dma_wait3A_352 = arith.constant 0 : i32
        %dma_wait3A_353 = tpu.memref_slice %arg15[%dma_wait3A_351, %dma_wait3A_352] : memref<10240x128xf32, #tpu.memory_space<vmem_shared>> -> memref<10240x128xf32, #tpu.memory_space<vmem_shared>>
        tpu.wait_indirect_dma semaphore(%run_scoped3A : memref<!tpu.dma_semaphore, #tpu.memory_space<semaphore_mem>>) src(%arg10 : memref<80x128xf32, #tpu.memory_space<vmem>>) dst(%dma_wait3A_353 : memref<10240x128xf32, #tpu.memory_space<vmem_shared>>)
        tpu.yield
      }) : () -> ()
      %add3A_325 = arith.constant 2 : i32
      %add3A_326 = arith.addi %mul3A_279, %add3A_325 : i32
      %add3A_327 = arith.constant 3 : i32
      %add3A_328 = arith.addi %add3A_326, %add3A_327 : i32
      %sub3A_329 = arith.constant 1 : i32
      %sub3A_330 = arith.subi %add3A_328, %sub3A_329 : i32
      %mul3A_331 = arith.constant 80 : i32
      %mul3A_332 = arith.muli %sub3A_330, %mul3A_331 : i32
      %add3A_333 = arith.addi %mul3A_0, %mul3A_332 : i32
      %dma_start3A_334 = tpu.memref_slice %arg3[%add3A_333] : memref<160000xi32, #tpu.memory_space<hbm>> -> memref<80xi32, #tpu.memory_space<hbm>>
      %dma_start3A_335 = tpu.memref_slice %arg3[%add3A_333] : memref<160000xi32, #tpu.memory_space<hbm>> -> memref<80xi32, #tpu.memory_space<hbm>>
      tpu.enqueue_dma source(%dma_start3A_335 : memref<80xi32, #tpu.memory_space<hbm>>) target(%arg13 : memref<80xi32, #tpu.memory_space<vmem>>) target_semaphore(%arg20 : memref<!tpu.dma_semaphore, #tpu.memory_space<semaphore_mem>>)
      %mul3A_336 = arith.constant 80 : i32
      %mul3A_337 = arith.muli %sub3A_330, %mul3A_336 : i32
      %dma_start3A_338 = tpu.memref_slice %arg8[%mul3A_337] : memref<10000xi32, #tpu.memory_space<vmem>> -> memref<80xi32, #tpu.memory_space<vmem>>
      %dma_start3A_339 = arith.constant 0 : i32
      %dma_start3A_340 = arith.constant 0 : i32
      %dma_start3A_341 = tpu.memref_slice %arg4[%dma_start3A_339, %dma_start3A_340] : memref<20000x128xf32, #tpu.memory_space<hbm>> -> memref<20000x128xf32, #tpu.memory_space<hbm>>
      tpu.enqueue_indirect_dma source(%dma_start3A_341 : memref<20000x128xf32, #tpu.memory_space<hbm>>) target(%arg10 : memref<80x128xf32, #tpu.memory_space<vmem>>) offsets(%dma_start3A_338 : memref<80xi32, #tpu.memory_space<vmem>>) semaphore(%arg17 : memref<!tpu.dma_semaphore, #tpu.memory_space<semaphore_mem>>)
      %add3A_342 = arith.constant 2 : i32
      %add3A_343 = arith.addi %mul3A_279, %add3A_342 : i32
      %dma_wait3A_344 = arith.constant 0 : i32
      %dma_wait3A_345 = tpu.memref_slice %arg3[%dma_wait3A_344] : memref<160000xi32, #tpu.memory_space<hbm>> -> memref<80xi32, #tpu.memory_space<hbm>>
      %dma_wait3A_346 = arith.constant 0 : i32
      %dma_wait3A_347 = tpu.memref_slice %arg3[%dma_wait3A_346] : memref<160000xi32, #tpu.memory_space<hbm>> -> memref<80xi32, #tpu.memory_space<hbm>>
      tpu.wait_dma2 semaphore(%arg21 : memref<!tpu.dma_semaphore, #tpu.memory_space<semaphore_mem>>) src(%dma_wait3A_347 : memref<80xi32, #tpu.memory_space<hbm>>) dst(%arg14 : memref<80xi32, #tpu.memory_space<vmem>>)
      tpu.wait_dma2 semaphore(%arg18 : memref<!tpu.dma_semaphore, #tpu.memory_space<semaphore_mem>>) src(%arg6 : memref<80x128xf32, #tpu.memory_space<hbm>>) dst(%arg11 : memref<80x128xf32, #tpu.memory_space<vmem>>)
      "tpu.region"() ({
        %run_scoped3A = tpu.sem_alloc : memref<!tpu.dma_semaphore, #tpu.memory_space<semaphore_mem>>
        %dma_start3A_348 = arith.constant 0 : i32
        %dma_start3A_349 = arith.constant 0 : i32
        %dma_start3A_350 = tpu.memref_slice %arg15[%dma_start3A_348, %dma_start3A_349] : memref<10240x128xf32, #tpu.memory_space<vmem_shared>> -> memref<10240x128xf32, #tpu.memory_space<vmem_shared>>
        tpu.enqueue_indirect_dma source(%arg11 : memref<80x128xf32, #tpu.memory_space<vmem>>) target(%dma_start3A_350 : memref<10240x128xf32, #tpu.memory_space<vmem_shared>>) offsets(%arg14 : memref<80xi32, #tpu.memory_space<vmem>>) semaphore(%run_scoped3A : memref<!tpu.dma_semaphore, #tpu.memory_space<semaphore_mem>>) {add = true}
        %dma_wait3A_351 = arith.constant 0 : i32
        %dma_wait3A_352 = arith.constant 0 : i32
        %dma_wait3A_353 = tpu.memref_slice %arg15[%dma_wait3A_351, %dma_wait3A_352] : memref<10240x128xf32, #tpu.memory_space<vmem_shared>> -> memref<10240x128xf32, #tpu.memory_space<vmem_shared>>
        tpu.wait_indirect_dma semaphore(%run_scoped3A : memref<!tpu.dma_semaphore, #tpu.memory_space<semaphore_mem>>) src(%arg11 : memref<80x128xf32, #tpu.memory_space<vmem>>) dst(%dma_wait3A_353 : memref<10240x128xf32, #tpu.memory_space<vmem_shared>>)
        tpu.yield
      }) : () -> ()
    }
    %scan3A_56 = arith.constant 41 : i32
    %dma_wait3A = arith.constant 0 : i32
    %dma_wait3A_57 = tpu.memref_slice %arg3[%dma_wait3A] : memref<160000xi32, #tpu.memory_space<hbm>> -> memref<80xi32, #tpu.memory_space<hbm>>
    %dma_wait3A_58 = arith.constant 0 : i32
    %dma_wait3A_59 = tpu.memref_slice %arg3[%dma_wait3A_58] : memref<160000xi32, #tpu.memory_space<hbm>> -> memref<80xi32, #tpu.memory_space<hbm>>
    tpu.wait_dma2 semaphore(%arg19 : memref<!tpu.dma_semaphore, #tpu.memory_space<semaphore_mem>>) src(%dma_wait3A_59 : memref<80xi32, #tpu.memory_space<hbm>>) dst(%arg12 : memref<80xi32, #tpu.memory_space<vmem>>)
    tpu.wait_dma2 semaphore(%arg16 : memref<!tpu.dma_semaphore, #tpu.memory_space<semaphore_mem>>) src(%arg6 : memref<80x128xf32, #tpu.memory_space<hbm>>) dst(%arg9 : memref<80x128xf32, #tpu.memory_space<vmem>>)
    "tpu.region"() ({
      %run_scoped3A = tpu.sem_alloc : memref<!tpu.dma_semaphore, #tpu.memory_space<semaphore_mem>>
      %dma_start3A_277 = arith.constant 0 : i32
      %dma_start3A_278 = arith.constant 0 : i32
      %dma_start3A_279 = tpu.memref_slice %arg15[%dma_start3A_277, %dma_start3A_278] : memref<10240x128xf32, #tpu.memory_space<vmem_shared>> -> memref<10240x128xf32, #tpu.memory_space<vmem_shared>>
      tpu.enqueue_indirect_dma source(%arg9 : memref<80x128xf32, #tpu.memory_space<vmem>>) target(%dma_start3A_279 : memref<10240x128xf32, #tpu.memory_space<vmem_shared>>) offsets(%arg12 : memref<80xi32, #tpu.memory_space<vmem>>) semaphore(%run_scoped3A : memref<!tpu.dma_semaphore, #tpu.memory_space<semaphore_mem>>) {add = true}
      %dma_wait3A_280 = arith.constant 0 : i32
      %dma_wait3A_281 = arith.constant 0 : i32
      %dma_wait3A_282 = tpu.memref_slice %arg15[%dma_wait3A_280, %dma_wait3A_281] : memref<10240x128xf32, #tpu.memory_space<vmem_shared>> -> memref<10240x128xf32, #tpu.memory_space<vmem_shared>>
      tpu.wait_indirect_dma semaphore(%run_scoped3A : memref<!tpu.dma_semaphore, #tpu.memory_space<semaphore_mem>>) src(%arg9 : memref<80x128xf32, #tpu.memory_space<vmem>>) dst(%dma_wait3A_282 : memref<10240x128xf32, #tpu.memory_space<vmem_shared>>)
      tpu.yield
    }) : () -> ()
    %dma_wait3A_60 = arith.constant 0 : i32
    %dma_wait3A_61 = tpu.memref_slice %arg3[%dma_wait3A_60] : memref<160000xi32, #tpu.memory_space<hbm>> -> memref<80xi32, #tpu.memory_space<hbm>>
    %dma_wait3A_62 = arith.constant 0 : i32
    %dma_wait3A_63 = tpu.memref_slice %arg3[%dma_wait3A_62] : memref<160000xi32, #tpu.memory_space<hbm>> -> memref<80xi32, #tpu.memory_space<hbm>>
    tpu.wait_dma2 semaphore(%arg20 : memref<!tpu.dma_semaphore, #tpu.memory_space<semaphore_mem>>) src(%dma_wait3A_63 : memref<80xi32, #tpu.memory_space<hbm>>) dst(%arg13 : memref<80xi32, #tpu.memory_space<vmem>>)
    tpu.wait_dma2 semaphore(%arg17 : memref<!tpu.dma_semaphore, #tpu.memory_space<semaphore_mem>>) src(%arg6 : memref<80x128xf32, #tpu.memory_space<hbm>>) dst(%arg10 : memref<80x128xf32, #tpu.memory_space<vmem>>)
    "tpu.region"() ({
      %run_scoped3A = tpu.sem_alloc : memref<!tpu.dma_semaphore, #tpu.memory_space<semaphore_mem>>
      %dma_start3A_277 = arith.constant 0 : i32
      %dma_start3A_278 = arith.constant 0 : i32
      %dma_start3A_279 = tpu.memref_slice %arg15[%dma_start3A_277, %dma_start3A_278] : memref<10240x128xf32, #tpu.memory_space<vmem_shared>> -> memref<10240x128xf32, #tpu.memory_space<vmem_shared>>
      tpu.enqueue_indirect_dma source(%arg10 : memref<80x128xf32, #tpu.memory_space<vmem>>) target(%dma_start3A_279 : memref<10240x128xf32, #tpu.memory_space<vmem_shared>>) offsets(%arg13 : memref<80xi32, #tpu.memory_space<vmem>>) semaphore(%run_scoped3A : memref<!tpu.dma_semaphore, #tpu.memory_space<semaphore_mem>>) {add = true}
      %dma_wait3A_280 = arith.constant 0 : i32
      %dma_wait3A_281 = arith.constant 0 : i32
      %dma_wait3A_282 = tpu.memref_slice %arg15[%dma_wait3A_280, %dma_wait3A_281] : memref<10240x128xf32, #tpu.memory_space<vmem_shared>> -> memref<10240x128xf32, #tpu.memory_space<vmem_shared>>
      tpu.wait_indirect_dma semaphore(%run_scoped3A : memref<!tpu.dma_semaphore, #tpu.memory_space<semaphore_mem>>) src(%arg10 : memref<80x128xf32, #tpu.memory_space<vmem>>) dst(%dma_wait3A_282 : memref<10240x128xf32, #tpu.memory_space<vmem_shared>>)
      tpu.yield
    }) : () -> ()
    %barrier3A_64 = arith.constant 0 : index
    tpu.barrier barrier_id(%barrier3A_64)
    %mul3A_65 = arith.constant 640 : i32
    %mul3A_66 = arith.muli %arg1, %mul3A_65 : i32
    %add3A_67 = arith.constant 0 : i32
    %add3A_68 = arith.addi %mul3A_66, %add3A_67 : i32
    "tpu.region"() ({
      %run_scoped3A = tpu.sem_alloc : memref<!tpu.dma_semaphore, #tpu.memory_space<semaphore_mem>>
      %dma_start3A_277 = arith.constant 0 : i32
      %dma_start3A_278 = tpu.memref_slice %arg15[%add3A_68, %dma_start3A_277] : memref<10240x128xf32, #tpu.memory_space<vmem_shared>> -> memref<80x128xf32, #tpu.memory_space<vmem_shared>>
      %dma_start3A_279 = arith.constant 0 : i32
      %dma_start3A_280 = tpu.memref_slice %arg15[%add3A_68, %dma_start3A_279] : memref<10240x128xf32, #tpu.memory_space<vmem_shared>> -> memref<80x128xf32, #tpu.memory_space<vmem_shared>>
      tpu.enqueue_dma source(%dma_start3A_280 : memref<80x128xf32, #tpu.memory_space<vmem_shared>>) target(%arg9 : memref<80x128xf32, #tpu.memory_space<vmem>>) target_semaphore(%run_scoped3A : memref<!tpu.dma_semaphore, #tpu.memory_space<semaphore_mem>>)
      %dma_wait3A_281 = arith.constant 0 : i32
      %dma_wait3A_282 = tpu.memref_slice %arg15[%add3A_68, %dma_wait3A_281] : memref<10240x128xf32, #tpu.memory_space<vmem_shared>> -> memref<80x128xf32, #tpu.memory_space<vmem_shared>>
      %dma_wait3A_283 = arith.constant 0 : i32
      %dma_wait3A_284 = tpu.memref_slice %arg15[%add3A_68, %dma_wait3A_283] : memref<10240x128xf32, #tpu.memory_space<vmem_shared>> -> memref<80x128xf32, #tpu.memory_space<vmem_shared>>
      tpu.wait_dma2 semaphore(%run_scoped3A : memref<!tpu.dma_semaphore, #tpu.memory_space<semaphore_mem>>) src(%dma_wait3A_284 : memref<80x128xf32, #tpu.memory_space<vmem_shared>>) dst(%arg9 : memref<80x128xf32, #tpu.memory_space<vmem>>)
      tpu.yield
    }) : () -> ()
    %add3A_69 = arith.constant 0 : i32
    %add3A_70 = arith.addi %add3A_69, %arg0 : i32
    %mul3A_71 = arith.constant 10240 : i32
    %mul3A_72 = arith.muli %add3A_70, %mul3A_71 : i32
    %add3A_73 = arith.addi %mul3A_72, %add3A_68 : i32
    "tpu.region"() ({
      %run_scoped3A = tpu.sem_alloc : memref<!tpu.dma_semaphore, #tpu.memory_space<semaphore_mem>>
      %dma_start3A_277 = arith.constant 0 : i32
      %dma_start3A_278 = tpu.memref_slice %arg7[%add3A_73, %dma_start3A_277] : memref<40960x128xf32, #tpu.memory_space<hbm>> -> memref<80x128xf32, #tpu.memory_space<hbm>>
      %dma_start3A_279 = arith.constant 0 : i32
      %dma_start3A_280 = tpu.memref_slice %arg7[%add3A_73, %dma_start3A_279] : memref<40960x128xf32, #tpu.memory_space<hbm>> -> memref<80x128xf32, #tpu.memory_space<hbm>>
      tpu.enqueue_dma source(%arg9 : memref<80x128xf32, #tpu.memory_space<vmem>>) target(%dma_start3A_280 : memref<80x128xf32, #tpu.memory_space<hbm>>) target_semaphore(%run_scoped3A : memref<!tpu.dma_semaphore, #tpu.memory_space<semaphore_mem>>)
      %dma_wait3A_281 = arith.constant 0 : i32
      %dma_wait3A_282 = tpu.memref_slice %arg7[%add3A_73, %dma_wait3A_281] : memref<40960x128xf32, #tpu.memory_space<hbm>> -> memref<80x128xf32, #tpu.memory_space<hbm>>
      %dma_wait3A_283 = arith.constant 0 : i32
      %dma_wait3A_284 = tpu.memref_slice %arg7[%add3A_73, %dma_wait3A_283] : memref<40960x128xf32, #tpu.memory_space<hbm>> -> memref<80x128xf32, #tpu.memory_space<hbm>>
      tpu.wait_dma2 semaphore(%run_scoped3A : memref<!tpu.dma_semaphore, #tpu.memory_space<semaphore_mem>>) src(%arg9 : memref<80x128xf32, #tpu.memory_space<vmem>>) dst(%dma_wait3A_284 : memref<80x128xf32, #tpu.memory_space<hbm>>)
      tpu.yield
    }) : () -> ()
    %mul3A_74 = arith.constant 640 : i32
    %mul3A_75 = arith.muli %arg1, %mul3A_74 : i32
    %add3A_76 = arith.constant 80 : i32
    %add3A_77 = arith.addi %mul3A_75, %add3A_76 : i32
    "tpu.region"() ({
      %run_scoped3A = tpu.sem_alloc : memref<!tpu.dma_semaphore, #tpu.memory_space<semaphore_mem>>
      %dma_start3A_277 = arith.constant 0 : i32
      %dma_start3A_278 = tpu.memref_slice %arg15[%add3A_77, %dma_start3A_277] : memref<10240x128xf32, #tpu.memory_space<vmem_shared>> -> memref<80x128xf32, #tpu.memory_space<vmem_shared>>
      %dma_start3A_279 = arith.constant 0 : i32
      %dma_start3A_280 = tpu.memref_slice %arg15[%add3A_77, %dma_start3A_279] : memref<10240x128xf32, #tpu.memory_space<vmem_shared>> -> memref<80x128xf32, #tpu.memory_space<vmem_shared>>
      tpu.enqueue_dma source(%dma_start3A_280 : memref<80x128xf32, #tpu.memory_space<vmem_shared>>) target(%arg9 : memref<80x128xf32, #tpu.memory_space<vmem>>) target_semaphore(%run_scoped3A : memref<!tpu.dma_semaphore, #tpu.memory_space<semaphore_mem>>)
      %dma_wait3A_281 = arith.constant 0 : i32
      %dma_wait3A_282 = tpu.memref_slice %arg15[%add3A_77, %dma_wait3A_281] : memref<10240x128xf32, #tpu.memory_space<vmem_shared>> -> memref<80x128xf32, #tpu.memory_space<vmem_shared>>
      %dma_wait3A_283 = arith.constant 0 : i32
      %dma_wait3A_284 = tpu.memref_slice %arg15[%add3A_77, %dma_wait3A_283] : memref<10240x128xf32, #tpu.memory_space<vmem_shared>> -> memref<80x128xf32, #tpu.memory_space<vmem_shared>>
      tpu.wait_dma2 semaphore(%run_scoped3A : memref<!tpu.dma_semaphore, #tpu.memory_space<semaphore_mem>>) src(%dma_wait3A_284 : memref<80x128xf32, #tpu.memory_space<vmem_shared>>) dst(%arg9 : memref<80x128xf32, #tpu.memory_space<vmem>>)
      tpu.yield
    }) : () -> ()
    %add3A_78 = arith.constant 0 : i32
    %add3A_79 = arith.addi %add3A_78, %arg0 : i32
    %mul3A_80 = arith.constant 10240 : i32
    %mul3A_81 = arith.muli %add3A_79, %mul3A_80 : i32
    %add3A_82 = arith.addi %mul3A_81, %add3A_77 : i32
    "tpu.region"() ({
      %run_scoped3A = tpu.sem_alloc : memref<!tpu.dma_semaphore, #tpu.memory_space<semaphore_mem>>
      %dma_start3A_277 = arith.constant 0 : i32
      %dma_start3A_278 = tpu.memref_slice %arg7[%add3A_82, %dma_start3A_277] : memref<40960x128xf32, #tpu.memory_space<hbm>> -> memref<80x128xf32, #tpu.memory_space<hbm>>
      %dma_start3A_279 = arith.constant 0 : i32
      %dma_start3A_280 = tpu.memref_slice %arg7[%add3A_82, %dma_start3A_279] : memref<40960x128xf32, #tpu.memory_space<hbm>> -> memref<80x128xf32, #tpu.memory_space<hbm>>
      tpu.enqueue_dma source(%arg9 : memref<80x128xf32, #tpu.memory_space<vmem>>) target(%dma_start3A_280 : memref<80x128xf32, #tpu.memory_space<hbm>>) target_semaphore(%run_scoped3A : memref<!tpu.dma_semaphore, #tpu.memory_space<semaphore_mem>>)
      %dma_wait3A_281 = arith.constant 0 : i32
      %dma_wait3A_282 = tpu.memref_slice %arg7[%add3A_82, %dma_wait3A_281] : memref<40960x128xf32, #tpu.memory_space<hbm>> -> memref<80x128xf32, #tpu.memory_space<hbm>>
      %dma_wait3A_283 = arith.constant 0 : i32
      %dma_wait3A_284 = tpu.memref_slice %arg7[%add3A_82, %dma_wait3A_283] : memref<40960x128xf32, #tpu.memory_space<hbm>> -> memref<80x128xf32, #tpu.memory_space<hbm>>
      tpu.wait_dma2 semaphore(%run_scoped3A : memref<!tpu.dma_semaphore, #tpu.memory_space<semaphore_mem>>) src(%arg9 : memref<80x128xf32, #tpu.memory_space<vmem>>) dst(%dma_wait3A_284 : memref<80x128xf32, #tpu.memory_space<hbm>>)
      tpu.yield
    }) : () -> ()
    %mul3A_83 = arith.constant 640 : i32
    %mul3A_84 = arith.muli %arg1, %mul3A_83 : i32
    %add3A_85 = arith.constant 160 : i32
    %add3A_86 = arith.addi %mul3A_84, %add3A_85 : i32
    "tpu.region"() ({
      %run_scoped3A = tpu.sem_alloc : memref<!tpu.dma_semaphore, #tpu.memory_space<semaphore_mem>>
      %dma_start3A_277 = arith.constant 0 : i32
      %dma_start3A_278 = tpu.memref_slice %arg15[%add3A_86, %dma_start3A_277] : memref<10240x128xf32, #tpu.memory_space<vmem_shared>> -> memref<80x128xf32, #tpu.memory_space<vmem_shared>>
      %dma_start3A_279 = arith.constant 0 : i32
      %dma_start3A_280 = tpu.memref_slice %arg15[%add3A_86, %dma_start3A_279] : memref<10240x128xf32, #tpu.memory_space<vmem_shared>> -> memref<80x128xf32, #tpu.memory_space<vmem_shared>>
      tpu.enqueue_dma source(%dma_start3A_280 : memref<80x128xf32, #tpu.memory_space<vmem_shared>>) target(%arg9 : memref<80x128xf32, #tpu.memory_space<vmem>>) target_semaphore(%run_scoped3A : memref<!tpu.dma_semaphore, #tpu.memory_space<semaphore_mem>>)
      %dma_wait3A_281 = arith.constant 0 : i32
      %dma_wait3A_282 = tpu.memref_slice %arg15[%add3A_86, %dma_wait3A_281] : memref<10240x128xf32, #tpu.memory_space<vmem_shared>> -> memref<80x128xf32, #tpu.memory_space<vmem_shared>>
      %dma_wait3A_283 = arith.constant 0 : i32
      %dma_wait3A_284 = tpu.memref_slice %arg15[%add3A_86, %dma_wait3A_283] : memref<10240x128xf32, #tpu.memory_space<vmem_shared>> -> memref<80x128xf32, #tpu.memory_space<vmem_shared>>
      tpu.wait_dma2 semaphore(%run_scoped3A : memref<!tpu.dma_semaphore, #tpu.memory_space<semaphore_mem>>) src(%dma_wait3A_284 : memref<80x128xf32, #tpu.memory_space<vmem_shared>>) dst(%arg9 : memref<80x128xf32, #tpu.memory_space<vmem>>)
      tpu.yield
    }) : () -> ()
    %add3A_87 = arith.constant 0 : i32
    %add3A_88 = arith.addi %add3A_87, %arg0 : i32
    %mul3A_89 = arith.constant 10240 : i32
    %mul3A_90 = arith.muli %add3A_88, %mul3A_89 : i32
    %add3A_91 = arith.addi %mul3A_90, %add3A_86 : i32
    "tpu.region"() ({
      %run_scoped3A = tpu.sem_alloc : memref<!tpu.dma_semaphore, #tpu.memory_space<semaphore_mem>>
      %dma_start3A_277 = arith.constant 0 : i32
      %dma_start3A_278 = tpu.memref_slice %arg7[%add3A_91, %dma_start3A_277] : memref<40960x128xf32, #tpu.memory_space<hbm>> -> memref<80x128xf32, #tpu.memory_space<hbm>>
      %dma_start3A_279 = arith.constant 0 : i32
      %dma_start3A_280 = tpu.memref_slice %arg7[%add3A_91, %dma_start3A_279] : memref<40960x128xf32, #tpu.memory_space<hbm>> -> memref<80x128xf32, #tpu.memory_space<hbm>>
      tpu.enqueue_dma source(%arg9 : memref<80x128xf32, #tpu.memory_space<vmem>>) target(%dma_start3A_280 : memref<80x128xf32, #tpu.memory_space<hbm>>) target_semaphore(%run_scoped3A : memref<!tpu.dma_semaphore, #tpu.memory_space<semaphore_mem>>)
      %dma_wait3A_281 = arith.constant 0 : i32
      %dma_wait3A_282 = tpu.memref_slice %arg7[%add3A_91, %dma_wait3A_281] : memref<40960x128xf32, #tpu.memory_space<hbm>> -> memref<80x128xf32, #tpu.memory_space<hbm>>
      %dma_wait3A_283 = arith.constant 0 : i32
      %dma_wait3A_284 = tpu.memref_slice %arg7[%add3A_91, %dma_wait3A_283] : memref<40960x128xf32, #tpu.memory_space<hbm>> -> memref<80x128xf32, #tpu.memory_space<hbm>>
      tpu.wait_dma2 semaphore(%run_scoped3A : memref<!tpu.dma_semaphore, #tpu.memory_space<semaphore_mem>>) src(%arg9 : memref<80x128xf32, #tpu.memory_space<vmem>>) dst(%dma_wait3A_284 : memref<80x128xf32, #tpu.memory_space<hbm>>)
      tpu.yield
    }) : () -> ()
    %mul3A_92 = arith.constant 640 : i32
    %mul3A_93 = arith.muli %arg1, %mul3A_92 : i32
    %add3A_94 = arith.constant 240 : i32
    %add3A_95 = arith.addi %mul3A_93, %add3A_94 : i32
    "tpu.region"() ({
      %run_scoped3A = tpu.sem_alloc : memref<!tpu.dma_semaphore, #tpu.memory_space<semaphore_mem>>
      %dma_start3A_277 = arith.constant 0 : i32
      %dma_start3A_278 = tpu.memref_slice %arg15[%add3A_95, %dma_start3A_277] : memref<10240x128xf32, #tpu.memory_space<vmem_shared>> -> memref<80x128xf32, #tpu.memory_space<vmem_shared>>
      %dma_start3A_279 = arith.constant 0 : i32
      %dma_start3A_280 = tpu.memref_slice %arg15[%add3A_95, %dma_start3A_279] : memref<10240x128xf32, #tpu.memory_space<vmem_shared>> -> memref<80x128xf32, #tpu.memory_space<vmem_shared>>
      tpu.enqueue_dma source(%dma_start3A_280 : memref<80x128xf32, #tpu.memory_space<vmem_shared>>) target(%arg9 : memref<80x128xf32, #tpu.memory_space<vmem>>) target_semaphore(%run_scoped3A : memref<!tpu.dma_semaphore, #tpu.memory_space<semaphore_mem>>)
      %dma_wait3A_281 = arith.constant 0 : i32
      %dma_wait3A_282 = tpu.memref_slice %arg15[%add3A_95, %dma_wait3A_281] : memref<10240x128xf32, #tpu.memory_space<vmem_shared>> -> memref<80x128xf32, #tpu.memory_space<vmem_shared>>
      %dma_wait3A_283 = arith.constant 0 : i32
      %dma_wait3A_284 = tpu.memref_slice %arg15[%add3A_95, %dma_wait3A_283] : memref<10240x128xf32, #tpu.memory_space<vmem_shared>> -> memref<80x128xf32, #tpu.memory_space<vmem_shared>>
      tpu.wait_dma2 semaphore(%run_scoped3A : memref<!tpu.dma_semaphore, #tpu.memory_space<semaphore_mem>>) src(%dma_wait3A_284 : memref<80x128xf32, #tpu.memory_space<vmem_shared>>) dst(%arg9 : memref<80x128xf32, #tpu.memory_space<vmem>>)
      tpu.yield
    }) : () -> ()
    %add3A_96 = arith.constant 0 : i32
    %add3A_97 = arith.addi %add3A_96, %arg0 : i32
    %mul3A_98 = arith.constant 10240 : i32
    %mul3A_99 = arith.muli %add3A_97, %mul3A_98 : i32
    %add3A_100 = arith.addi %mul3A_99, %add3A_95 : i32
    "tpu.region"() ({
      %run_scoped3A = tpu.sem_alloc : memref<!tpu.dma_semaphore, #tpu.memory_space<semaphore_mem>>
      %dma_start3A_277 = arith.constant 0 : i32
      %dma_start3A_278 = tpu.memref_slice %arg7[%add3A_100, %dma_start3A_277] : memref<40960x128xf32, #tpu.memory_space<hbm>> -> memref<80x128xf32, #tpu.memory_space<hbm>>
      %dma_start3A_279 = arith.constant 0 : i32
      %dma_start3A_280 = tpu.memref_slice %arg7[%add3A_100, %dma_start3A_279] : memref<40960x128xf32, #tpu.memory_space<hbm>> -> memref<80x128xf32, #tpu.memory_space<hbm>>
      tpu.enqueue_dma source(%arg9 : memref<80x128xf32, #tpu.memory_space<vmem>>) target(%dma_start3A_280 : memref<80x128xf32, #tpu.memory_space<hbm>>) target_semaphore(%run_scoped3A : memref<!tpu.dma_semaphore, #tpu.memory_space<semaphore_mem>>)
      %dma_wait3A_281 = arith.constant 0 : i32
      %dma_wait3A_282 = tpu.memref_slice %arg7[%add3A_100, %dma_wait3A_281] : memref<40960x128xf32, #tpu.memory_space<hbm>> -> memref<80x128xf32, #tpu.memory_space<hbm>>
      %dma_wait3A_283 = arith.constant 0 : i32
      %dma_wait3A_284 = tpu.memref_slice %arg7[%add3A_100, %dma_wait3A_283] : memref<40960x128xf32, #tpu.memory_space<hbm>> -> memref<80x128xf32, #tpu.memory_space<hbm>>
      tpu.wait_dma2 semaphore(%run_scoped3A : memref<!tpu.dma_semaphore, #tpu.memory_space<semaphore_mem>>) src(%arg9 : memref<80x128xf32, #tpu.memory_space<vmem>>) dst(%dma_wait3A_284 : memref<80x128xf32, #tpu.memory_space<hbm>>)
      tpu.yield
    }) : () -> ()
    %mul3A_101 = arith.constant 640 : i32
    %mul3A_102 = arith.muli %arg1, %mul3A_101 : i32
    %add3A_103 = arith.constant 320 : i32
    %add3A_104 = arith.addi %mul3A_102, %add3A_103 : i32
    "tpu.region"() ({
      %run_scoped3A = tpu.sem_alloc : memref<!tpu.dma_semaphore, #tpu.memory_space<semaphore_mem>>
      %dma_start3A_277 = arith.constant 0 : i32
      %dma_start3A_278 = tpu.memref_slice %arg15[%add3A_104, %dma_start3A_277] : memref<10240x128xf32, #tpu.memory_space<vmem_shared>> -> memref<80x128xf32, #tpu.memory_space<vmem_shared>>
      %dma_start3A_279 = arith.constant 0 : i32
      %dma_start3A_280 = tpu.memref_slice %arg15[%add3A_104, %dma_start3A_279] : memref<10240x128xf32, #tpu.memory_space<vmem_shared>> -> memref<80x128xf32, #tpu.memory_space<vmem_shared>>
      tpu.enqueue_dma source(%dma_start3A_280 : memref<80x128xf32, #tpu.memory_space<vmem_shared>>) target(%arg9 : memref<80x128xf32, #tpu.memory_space<vmem>>) target_semaphore(%run_scoped3A : memref<!tpu.dma_semaphore, #tpu.memory_space<semaphore_mem>>)
      %dma_wait3A_281 = arith.constant 0 : i32
      %dma_wait3A_282 = tpu.memref_slice %arg15[%add3A_104, %dma_wait3A_281] : memref<10240x128xf32, #tpu.memory_space<vmem_shared>> -> memref<80x128xf32, #tpu.memory_space<vmem_shared>>
      %dma_wait3A_283 = arith.constant 0 : i32
      %dma_wait3A_284 = tpu.memref_slice %arg15[%add3A_104, %dma_wait3A_283] : memref<10240x128xf32, #tpu.memory_space<vmem_shared>> -> memref<80x128xf32, #tpu.memory_space<vmem_shared>>
      tpu.wait_dma2 semaphore(%run_scoped3A : memref<!tpu.dma_semaphore, #tpu.memory_space<semaphore_mem>>) src(%dma_wait3A_284 : memref<80x128xf32, #tpu.memory_space<vmem_shared>>) dst(%arg9 : memref<80x128xf32, #tpu.memory_space<vmem>>)
      tpu.yield
    }) : () -> ()
    %add3A_105 = arith.constant 0 : i32
    %add3A_106 = arith.addi %add3A_105, %arg0 : i32
    %mul3A_107 = arith.constant 10240 : i32
    %mul3A_108 = arith.muli %add3A_106, %mul3A_107 : i32
    %add3A_109 = arith.addi %mul3A_108, %add3A_104 : i32
    "tpu.region"() ({
      %run_scoped3A = tpu.sem_alloc : memref<!tpu.dma_semaphore, #tpu.memory_space<semaphore_mem>>
      %dma_start3A_277 = arith.constant 0 : i32
      %dma_start3A_278 = tpu.memref_slice %arg7[%add3A_109, %dma_start3A_277] : memref<40960x128xf32, #tpu.memory_space<hbm>> -> memref<80x128xf32, #tpu.memory_space<hbm>>
      %dma_start3A_279 = arith.constant 0 : i32
      %dma_start3A_280 = tpu.memref_slice %arg7[%add3A_109, %dma_start3A_279] : memref<40960x128xf32, #tpu.memory_space<hbm>> -> memref<80x128xf32, #tpu.memory_space<hbm>>
      tpu.enqueue_dma source(%arg9 : memref<80x128xf32, #tpu.memory_space<vmem>>) target(%dma_start3A_280 : memref<80x128xf32, #tpu.memory_space<hbm>>) target_semaphore(%run_scoped3A : memref<!tpu.dma_semaphore, #tpu.memory_space<semaphore_mem>>)
      %dma_wait3A_281 = arith.constant 0 : i32
      %dma_wait3A_282 = tpu.memref_slice %arg7[%add3A_109, %dma_wait3A_281] : memref<40960x128xf32, #tpu.memory_space<hbm>> -> memref<80x128xf32, #tpu.memory_space<hbm>>
      %dma_wait3A_283 = arith.constant 0 : i32
      %dma_wait3A_284 = tpu.memref_slice %arg7[%add3A_109, %dma_wait3A_283] : memref<40960x128xf32, #tpu.memory_space<hbm>> -> memref<80x128xf32, #tpu.memory_space<hbm>>
      tpu.wait_dma2 semaphore(%run_scoped3A : memref<!tpu.dma_semaphore, #tpu.memory_space<semaphore_mem>>) src(%arg9 : memref<80x128xf32, #tpu.memory_space<vmem>>) dst(%dma_wait3A_284 : memref<80x128xf32, #tpu.memory_space<hbm>>)
      tpu.yield
    }) : () -> ()
    %mul3A_110 = arith.constant 640 : i32
    %mul3A_111 = arith.muli %arg1, %mul3A_110 : i32
    %add3A_112 = arith.constant 400 : i32
    %add3A_113 = arith.addi %mul3A_111, %add3A_112 : i32
    "tpu.region"() ({
      %run_scoped3A = tpu.sem_alloc : memref<!tpu.dma_semaphore, #tpu.memory_space<semaphore_mem>>
      %dma_start3A_277 = arith.constant 0 : i32
      %dma_start3A_278 = tpu.memref_slice %arg15[%add3A_113, %dma_start3A_277] : memref<10240x128xf32, #tpu.memory_space<vmem_shared>> -> memref<80x128xf32, #tpu.memory_space<vmem_shared>>
      %dma_start3A_279 = arith.constant 0 : i32
      %dma_start3A_280 = tpu.memref_slice %arg15[%add3A_113, %dma_start3A_279] : memref<10240x128xf32, #tpu.memory_space<vmem_shared>> -> memref<80x128xf32, #tpu.memory_space<vmem_shared>>
      tpu.enqueue_dma source(%dma_start3A_280 : memref<80x128xf32, #tpu.memory_space<vmem_shared>>) target(%arg9 : memref<80x128xf32, #tpu.memory_space<vmem>>) target_semaphore(%run_scoped3A : memref<!tpu.dma_semaphore, #tpu.memory_space<semaphore_mem>>)
      %dma_wait3A_281 = arith.constant 0 : i32
      %dma_wait3A_282 = tpu.memref_slice %arg15[%add3A_113, %dma_wait3A_281] : memref<10240x128xf32, #tpu.memory_space<vmem_shared>> -> memref<80x128xf32, #tpu.memory_space<vmem_shared>>
      %dma_wait3A_283 = arith.constant 0 : i32
      %dma_wait3A_284 = tpu.memref_slice %arg15[%add3A_113, %dma_wait3A_283] : memref<10240x128xf32, #tpu.memory_space<vmem_shared>> -> memref<80x128xf32, #tpu.memory_space<vmem_shared>>
      tpu.wait_dma2 semaphore(%run_scoped3A : memref<!tpu.dma_semaphore, #tpu.memory_space<semaphore_mem>>) src(%dma_wait3A_284 : memref<80x128xf32, #tpu.memory_space<vmem_shared>>) dst(%arg9 : memref<80x128xf32, #tpu.memory_space<vmem>>)
      tpu.yield
    }) : () -> ()
    %add3A_114 = arith.constant 0 : i32
    %add3A_115 = arith.addi %add3A_114, %arg0 : i32
    %mul3A_116 = arith.constant 10240 : i32
    %mul3A_117 = arith.muli %add3A_115, %mul3A_116 : i32
    %add3A_118 = arith.addi %mul3A_117, %add3A_113 : i32
    "tpu.region"() ({
      %run_scoped3A = tpu.sem_alloc : memref<!tpu.dma_semaphore, #tpu.memory_space<semaphore_mem>>
      %dma_start3A_277 = arith.constant 0 : i32
      %dma_start3A_278 = tpu.memref_slice %arg7[%add3A_118, %dma_start3A_277] : memref<40960x128xf32, #tpu.memory_space<hbm>> -> memref<80x128xf32, #tpu.memory_space<hbm>>
      %dma_start3A_279 = arith.constant 0 : i32
      %dma_start3A_280 = tpu.memref_slice %arg7[%add3A_118, %dma_start3A_279] : memref<40960x128xf32, #tpu.memory_space<hbm>> -> memref<80x128xf32, #tpu.memory_space<hbm>>
      tpu.enqueue_dma source(%arg9 : memref<80x128xf32, #tpu.memory_space<vmem>>) target(%dma_start3A_280 : memref<80x128xf32, #tpu.memory_space<hbm>>) target_semaphore(%run_scoped3A : memref<!tpu.dma_semaphore, #tpu.memory_space<semaphore_mem>>)
      %dma_wait3A_281 = arith.constant 0 : i32
      %dma_wait3A_282 = tpu.memref_slice %arg7[%add3A_118, %dma_wait3A_281] : memref<40960x128xf32, #tpu.memory_space<hbm>> -> memref<80x128xf32, #tpu.memory_space<hbm>>
      %dma_wait3A_283 = arith.constant 0 : i32
      %dma_wait3A_284 = tpu.memref_slice %arg7[%add3A_118, %dma_wait3A_283] : memref<40960x128xf32, #tpu.memory_space<hbm>> -> memref<80x128xf32, #tpu.memory_space<hbm>>
      tpu.wait_dma2 semaphore(%run_scoped3A : memref<!tpu.dma_semaphore, #tpu.memory_space<semaphore_mem>>) src(%arg9 : memref<80x128xf32, #tpu.memory_space<vmem>>) dst(%dma_wait3A_284 : memref<80x128xf32, #tpu.memory_space<hbm>>)
      tpu.yield
    }) : () -> ()
    %mul3A_119 = arith.constant 640 : i32
    %mul3A_120 = arith.muli %arg1, %mul3A_119 : i32
    %add3A_121 = arith.constant 480 : i32
    %add3A_122 = arith.addi %mul3A_120, %add3A_121 : i32
    "tpu.region"() ({
      %run_scoped3A = tpu.sem_alloc : memref<!tpu.dma_semaphore, #tpu.memory_space<semaphore_mem>>
      %dma_start3A_277 = arith.constant 0 : i32
      %dma_start3A_278 = tpu.memref_slice %arg15[%add3A_122, %dma_start3A_277] : memref<10240x128xf32, #tpu.memory_space<vmem_shared>> -> memref<80x128xf32, #tpu.memory_space<vmem_shared>>
      %dma_start3A_279 = arith.constant 0 : i32
      %dma_start3A_280 = tpu.memref_slice %arg15[%add3A_122, %dma_start3A_279] : memref<10240x128xf32, #tpu.memory_space<vmem_shared>> -> memref<80x128xf32, #tpu.memory_space<vmem_shared>>
      tpu.enqueue_dma source(%dma_start3A_280 : memref<80x128xf32, #tpu.memory_space<vmem_shared>>) target(%arg9 : memref<80x128xf32, #tpu.memory_space<vmem>>) target_semaphore(%run_scoped3A : memref<!tpu.dma_semaphore, #tpu.memory_space<semaphore_mem>>)
      %dma_wait3A_281 = arith.constant 0 : i32
      %dma_wait3A_282 = tpu.memref_slice %arg15[%add3A_122, %dma_wait3A_281] : memref<10240x128xf32, #tpu.memory_space<vmem_shared>> -> memref<80x128xf32, #tpu.memory_space<vmem_shared>>
      %dma_wait3A_283 = arith.constant 0 : i32
      %dma_wait3A_284 = tpu.memref_slice %arg15[%add3A_122, %dma_wait3A_283] : memref<10240x128xf32, #tpu.memory_space<vmem_shared>> -> memref<80x128xf32, #tpu.memory_space<vmem_shared>>
      tpu.wait_dma2 semaphore(%run_scoped3A : memref<!tpu.dma_semaphore, #tpu.memory_space<semaphore_mem>>) src(%dma_wait3A_284 : memref<80x128xf32, #tpu.memory_space<vmem_shared>>) dst(%arg9 : memref<80x128xf32, #tpu.memory_space<vmem>>)
      tpu.yield
    }) : () -> ()
    %add3A_123 = arith.constant 0 : i32
    %add3A_124 = arith.addi %add3A_123, %arg0 : i32
    %mul3A_125 = arith.constant 10240 : i32
    %mul3A_126 = arith.muli %add3A_124, %mul3A_125 : i32
    %add3A_127 = arith.addi %mul3A_126, %add3A_122 : i32
    "tpu.region"() ({
      %run_scoped3A = tpu.sem_alloc : memref<!tpu.dma_semaphore, #tpu.memory_space<semaphore_mem>>
      %dma_start3A_277 = arith.constant 0 : i32
      %dma_start3A_278 = tpu.memref_slice %arg7[%add3A_127, %dma_start3A_277] : memref<40960x128xf32, #tpu.memory_space<hbm>> -> memref<80x128xf32, #tpu.memory_space<hbm>>
      %dma_start3A_279 = arith.constant 0 : i32
      %dma_start3A_280 = tpu.memref_slice %arg7[%add3A_127, %dma_start3A_279] : memref<40960x128xf32, #tpu.memory_space<hbm>> -> memref<80x128xf32, #tpu.memory_space<hbm>>
      tpu.enqueue_dma source(%arg9 : memref<80x128xf32, #tpu.memory_space<vmem>>) target(%dma_start3A_280 : memref<80x128xf32, #tpu.memory_space<hbm>>) target_semaphore(%run_scoped3A : memref<!tpu.dma_semaphore, #tpu.memory_space<semaphore_mem>>)
      %dma_wait3A_281 = arith.constant 0 : i32
      %dma_wait3A_282 = tpu.memref_slice %arg7[%add3A_127, %dma_wait3A_281] : memref<40960x128xf32, #tpu.memory_space<hbm>> -> memref<80x128xf32, #tpu.memory_space<hbm>>
      %dma_wait3A_283 = arith.constant 0 : i32
      %dma_wait3A_284 = tpu.memref_slice %arg7[%add3A_127, %dma_wait3A_283] : memref<40960x128xf32, #tpu.memory_space<hbm>> -> memref<80x128xf32, #tpu.memory_space<hbm>>
      tpu.wait_dma2 semaphore(%run_scoped3A : memref<!tpu.dma_semaphore, #tpu.memory_space<semaphore_mem>>) src(%arg9 : memref<80x128xf32, #tpu.memory_space<vmem>>) dst(%dma_wait3A_284 : memref<80x128xf32, #tpu.memory_space<hbm>>)
      tpu.yield
    }) : () -> ()
    %mul3A_128 = arith.constant 640 : i32
    %mul3A_129 = arith.muli %arg1, %mul3A_128 : i32
    %add3A_130 = arith.constant 560 : i32
    %add3A_131 = arith.addi %mul3A_129, %add3A_130 : i32
    "tpu.region"() ({
      %run_scoped3A = tpu.sem_alloc : memref<!tpu.dma_semaphore, #tpu.memory_space<semaphore_mem>>
      %dma_start3A_277 = arith.constant 0 : i32
      %dma_start3A_278 = tpu.memref_slice %arg15[%add3A_131, %dma_start3A_277] : memref<10240x128xf32, #tpu.memory_space<vmem_shared>> -> memref<80x128xf32, #tpu.memory_space<vmem_shared>>
      %dma_start3A_279 = arith.constant 0 : i32
      %dma_start3A_280 = tpu.memref_slice %arg15[%add3A_131, %dma_start3A_279] : memref<10240x128xf32, #tpu.memory_space<vmem_shared>> -> memref<80x128xf32, #tpu.memory_space<vmem_shared>>
      tpu.enqueue_dma source(%dma_start3A_280 : memref<80x128xf32, #tpu.memory_space<vmem_shared>>) target(%arg9 : memref<80x128xf32, #tpu.memory_space<vmem>>) target_semaphore(%run_scoped3A : memref<!tpu.dma_semaphore, #tpu.memory_space<semaphore_mem>>)
      %dma_wait3A_281 = arith.constant 0 : i32
      %dma_wait3A_282 = tpu.memref_slice %arg15[%add3A_131, %dma_wait3A_281] : memref<10240x128xf32, #tpu.memory_space<vmem_shared>> -> memref<80x128xf32, #tpu.memory_space<vmem_shared>>
      %dma_wait3A_283 = arith.constant 0 : i32
      %dma_wait3A_284 = tpu.memref_slice %arg15[%add3A_131, %dma_wait3A_283] : memref<10240x128xf32, #tpu.memory_space<vmem_shared>> -> memref<80x128xf32, #tpu.memory_space<vmem_shared>>
      tpu.wait_dma2 semaphore(%run_scoped3A : memref<!tpu.dma_semaphore, #tpu.memory_space<semaphore_mem>>) src(%dma_wait3A_284 : memref<80x128xf32, #tpu.memory_space<vmem_shared>>) dst(%arg9 : memref<80x128xf32, #tpu.memory_space<vmem>>)
      tpu.yield
    }) : () -> ()
    %add3A_132 = arith.constant 0 : i32
    %add3A_133 = arith.addi %add3A_132, %arg0 : i32
    %mul3A_134 = arith.constant 10240 : i32
    %mul3A_135 = arith.muli %add3A_133, %mul3A_134 : i32
    %add3A_136 = arith.addi %mul3A_135, %add3A_131 : i32
    "tpu.region"() ({
      %run_scoped3A = tpu.sem_alloc : memref<!tpu.dma_semaphore, #tpu.memory_space<semaphore_mem>>
      %dma_start3A_277 = arith.constant 0 : i32
      %dma_start3A_278 = tpu.memref_slice %arg7[%add3A_136, %dma_start3A_277] : memref<40960x128xf32, #tpu.memory_space<hbm>> -> memref<80x128xf32, #tpu.memory_space<hbm>>
      %dma_start3A_279 = arith.constant 0 : i32
      %dma_start3A_280 = tpu.memref_slice %arg7[%add3A_136, %dma_start3A_279] : memref<40960x128xf32, #tpu.memory_space<hbm>> -> memref<80x128xf32, #tpu.memory_space<hbm>>
      tpu.enqueue_dma source(%arg9 : memref<80x128xf32, #tpu.memory_space<vmem>>) target(%dma_start3A_280 : memref<80x128xf32, #tpu.memory_space<hbm>>) target_semaphore(%run_scoped3A : memref<!tpu.dma_semaphore, #tpu.memory_space<semaphore_mem>>)
      %dma_wait3A_281 = arith.constant 0 : i32
      %dma_wait3A_282 = tpu.memref_slice %arg7[%add3A_136, %dma_wait3A_281] : memref<40960x128xf32, #tpu.memory_space<hbm>> -> memref<80x128xf32, #tpu.memory_space<hbm>>
      %dma_wait3A_283 = arith.constant 0 : i32
      %dma_wait3A_284 = tpu.memref_slice %arg7[%add3A_136, %dma_wait3A_283] : memref<40960x128xf32, #tpu.memory_space<hbm>> -> memref<80x128xf32, #tpu.memory_space<hbm>>
      tpu.wait_dma2 semaphore(%run_scoped3A : memref<!tpu.dma_semaphore, #tpu.memory_space<semaphore_mem>>) src(%arg9 : memref<80x128xf32, #tpu.memory_space<vmem>>) dst(%dma_wait3A_284 : memref<80x128xf32, #tpu.memory_space<hbm>>)
      tpu.yield
    }) : () -> ()
    %barrier3A_137 = arith.constant 0 : index
    tpu.barrier barrier_id(%barrier3A_137)
    "tpu.region"() ({
      %run_scoped3A = tpu.sem_alloc : memref<!tpu.dma_semaphore, #tpu.memory_space<semaphore_mem>>
      tpu.enqueue_dma source(%arg6 : memref<80x128xf32, #tpu.memory_space<hbm>>) target(%arg9 : memref<80x128xf32, #tpu.memory_space<vmem>>) target_semaphore(%run_scoped3A : memref<!tpu.dma_semaphore, #tpu.memory_space<semaphore_mem>>)
      tpu.wait_dma2 semaphore(%run_scoped3A : memref<!tpu.dma_semaphore, #tpu.memory_space<semaphore_mem>>) src(%arg6 : memref<80x128xf32, #tpu.memory_space<hbm>>) dst(%arg9 : memref<80x128xf32, #tpu.memory_space<vmem>>)
      tpu.yield
    }) : () -> ()
    %mul3A_138 = arith.constant 640 : i32
    %mul3A_139 = arith.muli %arg1, %mul3A_138 : i32
    %add3A_140 = arith.constant 0 : i32
    %add3A_141 = arith.addi %mul3A_139, %add3A_140 : i32
    "tpu.region"() ({
      %run_scoped3A = tpu.sem_alloc : memref<!tpu.dma_semaphore, #tpu.memory_space<semaphore_mem>>
      %dma_start3A_277 = arith.constant 0 : i32
      %dma_start3A_278 = tpu.memref_slice %arg15[%add3A_141, %dma_start3A_277] : memref<10240x128xf32, #tpu.memory_space<vmem_shared>> -> memref<80x128xf32, #tpu.memory_space<vmem_shared>>
      %dma_start3A_279 = arith.constant 0 : i32
      %dma_start3A_280 = tpu.memref_slice %arg15[%add3A_141, %dma_start3A_279] : memref<10240x128xf32, #tpu.memory_space<vmem_shared>> -> memref<80x128xf32, #tpu.memory_space<vmem_shared>>
      tpu.enqueue_dma source(%arg9 : memref<80x128xf32, #tpu.memory_space<vmem>>) target(%dma_start3A_280 : memref<80x128xf32, #tpu.memory_space<vmem_shared>>) target_semaphore(%run_scoped3A : memref<!tpu.dma_semaphore, #tpu.memory_space<semaphore_mem>>)
      %dma_wait3A_281 = arith.constant 0 : i32
      %dma_wait3A_282 = tpu.memref_slice %arg15[%add3A_141, %dma_wait3A_281] : memref<10240x128xf32, #tpu.memory_space<vmem_shared>> -> memref<80x128xf32, #tpu.memory_space<vmem_shared>>
      %dma_wait3A_283 = arith.constant 0 : i32
      %dma_wait3A_284 = tpu.memref_slice %arg15[%add3A_141, %dma_wait3A_283] : memref<10240x128xf32, #tpu.memory_space<vmem_shared>> -> memref<80x128xf32, #tpu.memory_space<vmem_shared>>
      tpu.wait_dma2 semaphore(%run_scoped3A : memref<!tpu.dma_semaphore, #tpu.memory_space<semaphore_mem>>) src(%arg9 : memref<80x128xf32, #tpu.memory_space<vmem>>) dst(%dma_wait3A_284 : memref<80x128xf32, #tpu.memory_space<vmem_shared>>)
      tpu.yield
    }) : () -> ()
    %mul3A_142 = arith.constant 640 : i32
    %mul3A_143 = arith.muli %arg1, %mul3A_142 : i32
    %add3A_144 = arith.constant 80 : i32
    %add3A_145 = arith.addi %mul3A_143, %add3A_144 : i32
    "tpu.region"() ({
      %run_scoped3A = tpu.sem_alloc : memref<!tpu.dma_semaphore, #tpu.memory_space<semaphore_mem>>
      %dma_start3A_277 = arith.constant 0 : i32
      %dma_start3A_278 = tpu.memref_slice %arg15[%add3A_145, %dma_start3A_277] : memref<10240x128xf32, #tpu.memory_space<vmem_shared>> -> memref<80x128xf32, #tpu.memory_space<vmem_shared>>
      %dma_start3A_279 = arith.constant 0 : i32
      %dma_start3A_280 = tpu.memref_slice %arg15[%add3A_145, %dma_start3A_279] : memref<10240x128xf32, #tpu.memory_space<vmem_shared>> -> memref<80x128xf32, #tpu.memory_space<vmem_shared>>
      tpu.enqueue_dma source(%arg9 : memref<80x128xf32, #tpu.memory_space<vmem>>) target(%dma_start3A_280 : memref<80x128xf32, #tpu.memory_space<vmem_shared>>) target_semaphore(%run_scoped3A : memref<!tpu.dma_semaphore, #tpu.memory_space<semaphore_mem>>)
      %dma_wait3A_281 = arith.constant 0 : i32
      %dma_wait3A_282 = tpu.memref_slice %arg15[%add3A_145, %dma_wait3A_281] : memref<10240x128xf32, #tpu.memory_space<vmem_shared>> -> memref<80x128xf32, #tpu.memory_space<vmem_shared>>
      %dma_wait3A_283 = arith.constant 0 : i32
      %dma_wait3A_284 = tpu.memref_slice %arg15[%add3A_145, %dma_wait3A_283] : memref<10240x128xf32, #tpu.memory_space<vmem_shared>> -> memref<80x128xf32, #tpu.memory_space<vmem_shared>>
      tpu.wait_dma2 semaphore(%run_scoped3A : memref<!tpu.dma_semaphore, #tpu.memory_space<semaphore_mem>>) src(%arg9 : memref<80x128xf32, #tpu.memory_space<vmem>>) dst(%dma_wait3A_284 : memref<80x128xf32, #tpu.memory_space<vmem_shared>>)
      tpu.yield
    }) : () -> ()
    %mul3A_146 = arith.constant 640 : i32
    %mul3A_147 = arith.muli %arg1, %mul3A_146 : i32
    %add3A_148 = arith.constant 160 : i32
    %add3A_149 = arith.addi %mul3A_147, %add3A_148 : i32
    "tpu.region"() ({
      %run_scoped3A = tpu.sem_alloc : memref<!tpu.dma_semaphore, #tpu.memory_space<semaphore_mem>>
      %dma_start3A_277 = arith.constant 0 : i32
      %dma_start3A_278 = tpu.memref_slice %arg15[%add3A_149, %dma_start3A_277] : memref<10240x128xf32, #tpu.memory_space<vmem_shared>> -> memref<80x128xf32, #tpu.memory_space<vmem_shared>>
      %dma_start3A_279 = arith.constant 0 : i32
      %dma_start3A_280 = tpu.memref_slice %arg15[%add3A_149, %dma_start3A_279] : memref<10240x128xf32, #tpu.memory_space<vmem_shared>> -> memref<80x128xf32, #tpu.memory_space<vmem_shared>>
      tpu.enqueue_dma source(%arg9 : memref<80x128xf32, #tpu.memory_space<vmem>>) target(%dma_start3A_280 : memref<80x128xf32, #tpu.memory_space<vmem_shared>>) target_semaphore(%run_scoped3A : memref<!tpu.dma_semaphore, #tpu.memory_space<semaphore_mem>>)
      %dma_wait3A_281 = arith.constant 0 : i32
      %dma_wait3A_282 = tpu.memref_slice %arg15[%add3A_149, %dma_wait3A_281] : memref<10240x128xf32, #tpu.memory_space<vmem_shared>> -> memref<80x128xf32, #tpu.memory_space<vmem_shared>>
      %dma_wait3A_283 = arith.constant 0 : i32
      %dma_wait3A_284 = tpu.memref_slice %arg15[%add3A_149, %dma_wait3A_283] : memref<10240x128xf32, #tpu.memory_space<vmem_shared>> -> memref<80x128xf32, #tpu.memory_space<vmem_shared>>
      tpu.wait_dma2 semaphore(%run_scoped3A : memref<!tpu.dma_semaphore, #tpu.memory_space<semaphore_mem>>) src(%arg9 : memref<80x128xf32, #tpu.memory_space<vmem>>) dst(%dma_wait3A_284 : memref<80x128xf32, #tpu.memory_space<vmem_shared>>)
      tpu.yield
    }) : () -> ()
    %mul3A_150 = arith.constant 640 : i32
    %mul3A_151 = arith.muli %arg1, %mul3A_150 : i32
    %add3A_152 = arith.constant 240 : i32
    %add3A_153 = arith.addi %mul3A_151, %add3A_152 : i32
    "tpu.region"() ({
      %run_scoped3A = tpu.sem_alloc : memref<!tpu.dma_semaphore, #tpu.memory_space<semaphore_mem>>
      %dma_start3A_277 = arith.constant 0 : i32
      %dma_start3A_278 = tpu.memref_slice %arg15[%add3A_153, %dma_start3A_277] : memref<10240x128xf32, #tpu.memory_space<vmem_shared>> -> memref<80x128xf32, #tpu.memory_space<vmem_shared>>
      %dma_start3A_279 = arith.constant 0 : i32
      %dma_start3A_280 = tpu.memref_slice %arg15[%add3A_153, %dma_start3A_279] : memref<10240x128xf32, #tpu.memory_space<vmem_shared>> -> memref<80x128xf32, #tpu.memory_space<vmem_shared>>
      tpu.enqueue_dma source(%arg9 : memref<80x128xf32, #tpu.memory_space<vmem>>) target(%dma_start3A_280 : memref<80x128xf32, #tpu.memory_space<vmem_shared>>) target_semaphore(%run_scoped3A : memref<!tpu.dma_semaphore, #tpu.memory_space<semaphore_mem>>)
      %dma_wait3A_281 = arith.constant 0 : i32
      %dma_wait3A_282 = tpu.memref_slice %arg15[%add3A_153, %dma_wait3A_281] : memref<10240x128xf32, #tpu.memory_space<vmem_shared>> -> memref<80x128xf32, #tpu.memory_space<vmem_shared>>
      %dma_wait3A_283 = arith.constant 0 : i32
      %dma_wait3A_284 = tpu.memref_slice %arg15[%add3A_153, %dma_wait3A_283] : memref<10240x128xf32, #tpu.memory_space<vmem_shared>> -> memref<80x128xf32, #tpu.memory_space<vmem_shared>>
      tpu.wait_dma2 semaphore(%run_scoped3A : memref<!tpu.dma_semaphore, #tpu.memory_space<semaphore_mem>>) src(%arg9 : memref<80x128xf32, #tpu.memory_space<vmem>>) dst(%dma_wait3A_284 : memref<80x128xf32, #tpu.memory_space<vmem_shared>>)
      tpu.yield
    }) : () -> ()
    %mul3A_154 = arith.constant 640 : i32
    %mul3A_155 = arith.muli %arg1, %mul3A_154 : i32
    %add3A_156 = arith.constant 320 : i32
    %add3A_157 = arith.addi %mul3A_155, %add3A_156 : i32
    "tpu.region"() ({
      %run_scoped3A = tpu.sem_alloc : memref<!tpu.dma_semaphore, #tpu.memory_space<semaphore_mem>>
      %dma_start3A_277 = arith.constant 0 : i32
      %dma_start3A_278 = tpu.memref_slice %arg15[%add3A_157, %dma_start3A_277] : memref<10240x128xf32, #tpu.memory_space<vmem_shared>> -> memref<80x128xf32, #tpu.memory_space<vmem_shared>>
      %dma_start3A_279 = arith.constant 0 : i32
      %dma_start3A_280 = tpu.memref_slice %arg15[%add3A_157, %dma_start3A_279] : memref<10240x128xf32, #tpu.memory_space<vmem_shared>> -> memref<80x128xf32, #tpu.memory_space<vmem_shared>>
      tpu.enqueue_dma source(%arg9 : memref<80x128xf32, #tpu.memory_space<vmem>>) target(%dma_start3A_280 : memref<80x128xf32, #tpu.memory_space<vmem_shared>>) target_semaphore(%run_scoped3A : memref<!tpu.dma_semaphore, #tpu.memory_space<semaphore_mem>>)
      %dma_wait3A_281 = arith.constant 0 : i32
      %dma_wait3A_282 = tpu.memref_slice %arg15[%add3A_157, %dma_wait3A_281] : memref<10240x128xf32, #tpu.memory_space<vmem_shared>> -> memref<80x128xf32, #tpu.memory_space<vmem_shared>>
      %dma_wait3A_283 = arith.constant 0 : i32
      %dma_wait3A_284 = tpu.memref_slice %arg15[%add3A_157, %dma_wait3A_283] : memref<10240x128xf32, #tpu.memory_space<vmem_shared>> -> memref<80x128xf32, #tpu.memory_space<vmem_shared>>
      tpu.wait_dma2 semaphore(%run_scoped3A : memref<!tpu.dma_semaphore, #tpu.memory_space<semaphore_mem>>) src(%arg9 : memref<80x128xf32, #tpu.memory_space<vmem>>) dst(%dma_wait3A_284 : memref<80x128xf32, #tpu.memory_space<vmem_shared>>)
      tpu.yield
    }) : () -> ()
    %mul3A_158 = arith.constant 640 : i32
    %mul3A_159 = arith.muli %arg1, %mul3A_158 : i32
    %add3A_160 = arith.constant 400 : i32
    %add3A_161 = arith.addi %mul3A_159, %add3A_160 : i32
    "tpu.region"() ({
      %run_scoped3A = tpu.sem_alloc : memref<!tpu.dma_semaphore, #tpu.memory_space<semaphore_mem>>
      %dma_start3A_277 = arith.constant 0 : i32
      %dma_start3A_278 = tpu.memref_slice %arg15[%add3A_161, %dma_start3A_277] : memref<10240x128xf32, #tpu.memory_space<vmem_shared>> -> memref<80x128xf32, #tpu.memory_space<vmem_shared>>
      %dma_start3A_279 = arith.constant 0 : i32
      %dma_start3A_280 = tpu.memref_slice %arg15[%add3A_161, %dma_start3A_279] : memref<10240x128xf32, #tpu.memory_space<vmem_shared>> -> memref<80x128xf32, #tpu.memory_space<vmem_shared>>
      tpu.enqueue_dma source(%arg9 : memref<80x128xf32, #tpu.memory_space<vmem>>) target(%dma_start3A_280 : memref<80x128xf32, #tpu.memory_space<vmem_shared>>) target_semaphore(%run_scoped3A : memref<!tpu.dma_semaphore, #tpu.memory_space<semaphore_mem>>)
      %dma_wait3A_281 = arith.constant 0 : i32
      %dma_wait3A_282 = tpu.memref_slice %arg15[%add3A_161, %dma_wait3A_281] : memref<10240x128xf32, #tpu.memory_space<vmem_shared>> -> memref<80x128xf32, #tpu.memory_space<vmem_shared>>
      %dma_wait3A_283 = arith.constant 0 : i32
      %dma_wait3A_284 = tpu.memref_slice %arg15[%add3A_161, %dma_wait3A_283] : memref<10240x128xf32, #tpu.memory_space<vmem_shared>> -> memref<80x128xf32, #tpu.memory_space<vmem_shared>>
      tpu.wait_dma2 semaphore(%run_scoped3A : memref<!tpu.dma_semaphore, #tpu.memory_space<semaphore_mem>>) src(%arg9 : memref<80x128xf32, #tpu.memory_space<vmem>>) dst(%dma_wait3A_284 : memref<80x128xf32, #tpu.memory_space<vmem_shared>>)
      tpu.yield
    }) : () -> ()
    %mul3A_162 = arith.constant 640 : i32
    %mul3A_163 = arith.muli %arg1, %mul3A_162 : i32
    %add3A_164 = arith.constant 480 : i32
    %add3A_165 = arith.addi %mul3A_163, %add3A_164 : i32
    "tpu.region"() ({
      %run_scoped3A = tpu.sem_alloc : memref<!tpu.dma_semaphore, #tpu.memory_space<semaphore_mem>>
      %dma_start3A_277 = arith.constant 0 : i32
      %dma_start3A_278 = tpu.memref_slice %arg15[%add3A_165, %dma_start3A_277] : memref<10240x128xf32, #tpu.memory_space<vmem_shared>> -> memref<80x128xf32, #tpu.memory_space<vmem_shared>>
      %dma_start3A_279 = arith.constant 0 : i32
      %dma_start3A_280 = tpu.memref_slice %arg15[%add3A_165, %dma_start3A_279] : memref<10240x128xf32, #tpu.memory_space<vmem_shared>> -> memref<80x128xf32, #tpu.memory_space<vmem_shared>>
      tpu.enqueue_dma source(%arg9 : memref<80x128xf32, #tpu.memory_space<vmem>>) target(%dma_start3A_280 : memref<80x128xf32, #tpu.memory_space<vmem_shared>>) target_semaphore(%run_scoped3A : memref<!tpu.dma_semaphore, #tpu.memory_space<semaphore_mem>>)
      %dma_wait3A_281 = arith.constant 0 : i32
      %dma_wait3A_282 = tpu.memref_slice %arg15[%add3A_165, %dma_wait3A_281] : memref<10240x128xf32, #tpu.memory_space<vmem_shared>> -> memref<80x128xf32, #tpu.memory_space<vmem_shared>>
      %dma_wait3A_283 = arith.constant 0 : i32
      %dma_wait3A_284 = tpu.memref_slice %arg15[%add3A_165, %dma_wait3A_283] : memref<10240x128xf32, #tpu.memory_space<vmem_shared>> -> memref<80x128xf32, #tpu.memory_space<vmem_shared>>
      tpu.wait_dma2 semaphore(%run_scoped3A : memref<!tpu.dma_semaphore, #tpu.memory_space<semaphore_mem>>) src(%arg9 : memref<80x128xf32, #tpu.memory_space<vmem>>) dst(%dma_wait3A_284 : memref<80x128xf32, #tpu.memory_space<vmem_shared>>)
      tpu.yield
    }) : () -> ()
    %mul3A_166 = arith.constant 640 : i32
    %mul3A_167 = arith.muli %arg1, %mul3A_166 : i32
    %add3A_168 = arith.constant 560 : i32
    %add3A_169 = arith.addi %mul3A_167, %add3A_168 : i32
    "tpu.region"() ({
      %run_scoped3A = tpu.sem_alloc : memref<!tpu.dma_semaphore, #tpu.memory_space<semaphore_mem>>
      %dma_start3A_277 = arith.constant 0 : i32
      %dma_start3A_278 = tpu.memref_slice %arg15[%add3A_169, %dma_start3A_277] : memref<10240x128xf32, #tpu.memory_space<vmem_shared>> -> memref<80x128xf32, #tpu.memory_space<vmem_shared>>
      %dma_start3A_279 = arith.constant 0 : i32
      %dma_start3A_280 = tpu.memref_slice %arg15[%add3A_169, %dma_start3A_279] : memref<10240x128xf32, #tpu.memory_space<vmem_shared>> -> memref<80x128xf32, #tpu.memory_space<vmem_shared>>
      tpu.enqueue_dma source(%arg9 : memref<80x128xf32, #tpu.memory_space<vmem>>) target(%dma_start3A_280 : memref<80x128xf32, #tpu.memory_space<vmem_shared>>) target_semaphore(%run_scoped3A : memref<!tpu.dma_semaphore, #tpu.memory_space<semaphore_mem>>)
      %dma_wait3A_281 = arith.constant 0 : i32
      %dma_wait3A_282 = tpu.memref_slice %arg15[%add3A_169, %dma_wait3A_281] : memref<10240x128xf32, #tpu.memory_space<vmem_shared>> -> memref<80x128xf32, #tpu.memory_space<vmem_shared>>
      %dma_wait3A_283 = arith.constant 0 : i32
      %dma_wait3A_284 = tpu.memref_slice %arg15[%add3A_169, %dma_wait3A_283] : memref<10240x128xf32, #tpu.memory_space<vmem_shared>> -> memref<80x128xf32, #tpu.memory_space<vmem_shared>>
      tpu.wait_dma2 semaphore(%run_scoped3A : memref<!tpu.dma_semaphore, #tpu.memory_space<semaphore_mem>>) src(%arg9 : memref<80x128xf32, #tpu.memory_space<vmem>>) dst(%dma_wait3A_284 : memref<80x128xf32, #tpu.memory_space<vmem_shared>>)
      tpu.yield
    }) : () -> ()
    %barrier3A_170 = arith.constant 0 : index
    tpu.barrier barrier_id(%barrier3A_170)
    %add3A_171 = arith.constant 0 : i32
    %add3A_172 = arith.addi %mul3A_0, %add3A_171 : i32
    %dma_start3A_173 = tpu.memref_slice %arg3[%add3A_172] : memref<160000xi32, #tpu.memory_space<hbm>> -> memref<80xi32, #tpu.memory_space<hbm>>
    %dma_start3A_174 = tpu.memref_slice %arg3[%add3A_172] : memref<160000xi32, #tpu.memory_space<hbm>> -> memref<80xi32, #tpu.memory_space<hbm>>
    tpu.enqueue_dma source(%dma_start3A_174 : memref<80xi32, #tpu.memory_space<hbm>>) target(%arg12 : memref<80xi32, #tpu.memory_space<vmem>>) target_semaphore(%arg19 : memref<!tpu.dma_semaphore, #tpu.memory_space<semaphore_mem>>)
    %dma_start3A_175 = arith.constant 0 : i32
    %dma_start3A_176 = tpu.memref_slice %arg8[%dma_start3A_175] : memref<10000xi32, #tpu.memory_space<vmem>> -> memref<80xi32, #tpu.memory_space<vmem>>
    %dma_start3A_177 = arith.constant 0 : i32
    %dma_start3A_178 = arith.constant 0 : i32
    %dma_start3A_179 = tpu.memref_slice %arg5[%dma_start3A_177, %dma_start3A_178] : memref<20000x128xf32, #tpu.memory_space<hbm>> -> memref<20000x128xf32, #tpu.memory_space<hbm>>
    tpu.enqueue_indirect_dma source(%dma_start3A_179 : memref<20000x128xf32, #tpu.memory_space<hbm>>) target(%arg9 : memref<80x128xf32, #tpu.memory_space<vmem>>) offsets(%dma_start3A_176 : memref<80xi32, #tpu.memory_space<vmem>>) semaphore(%arg16 : memref<!tpu.dma_semaphore, #tpu.memory_space<semaphore_mem>>)
    %add3A_180 = arith.constant 80 : i32
    %add3A_181 = arith.addi %mul3A_0, %add3A_180 : i32
    %dma_start3A_182 = tpu.memref_slice %arg3[%add3A_181] : memref<160000xi32, #tpu.memory_space<hbm>> -> memref<80xi32, #tpu.memory_space<hbm>>
    %dma_start3A_183 = tpu.memref_slice %arg3[%add3A_181] : memref<160000xi32, #tpu.memory_space<hbm>> -> memref<80xi32, #tpu.memory_space<hbm>>
    tpu.enqueue_dma source(%dma_start3A_183 : memref<80xi32, #tpu.memory_space<hbm>>) target(%arg13 : memref<80xi32, #tpu.memory_space<vmem>>) target_semaphore(%arg20 : memref<!tpu.dma_semaphore, #tpu.memory_space<semaphore_mem>>)
    %dma_start3A_184 = arith.constant 80 : i32
    %dma_start3A_185 = tpu.memref_slice %arg8[%dma_start3A_184] : memref<10000xi32, #tpu.memory_space<vmem>> -> memref<80xi32, #tpu.memory_space<vmem>>
    %dma_start3A_186 = arith.constant 0 : i32
    %dma_start3A_187 = arith.constant 0 : i32
    %dma_start3A_188 = tpu.memref_slice %arg5[%dma_start3A_186, %dma_start3A_187] : memref<20000x128xf32, #tpu.memory_space<hbm>> -> memref<20000x128xf32, #tpu.memory_space<hbm>>
    tpu.enqueue_indirect_dma source(%dma_start3A_188 : memref<20000x128xf32, #tpu.memory_space<hbm>>) target(%arg10 : memref<80x128xf32, #tpu.memory_space<vmem>>) offsets(%dma_start3A_185 : memref<80xi32, #tpu.memory_space<vmem>>) semaphore(%arg17 : memref<!tpu.dma_semaphore, #tpu.memory_space<semaphore_mem>>)
    %scan3A_189 = arith.constant 0 : i32
    %scan3A_190 = arith.constant 0 : i32
    %scan3A_191 = arith.constant 41 : i32
    %scan3A_192 = arith.addi %scan3A_190, %scan3A_191 : i32
    %scan3A_193 = arith.constant 1 : i32
    scf.for %scan3A_277 = %scan3A_190 to %scan3A_192 step %scan3A_193  : i32 {
      %mul3A_278 = arith.constant 3 : i32
      %mul3A_279 = arith.muli %scan3A_277, %mul3A_278 : i32
      %add3A_280 = arith.constant 0 : i32
      %add3A_281 = arith.addi %mul3A_279, %add3A_280 : i32
      %add3A_282 = arith.constant 3 : i32
      %add3A_283 = arith.addi %add3A_281, %add3A_282 : i32
      %sub3A = arith.constant 1 : i32
      %sub3A_284 = arith.subi %add3A_283, %sub3A : i32
      %mul3A_285 = arith.constant 80 : i32
      %mul3A_286 = arith.muli %sub3A_284, %mul3A_285 : i32
      %add3A_287 = arith.addi %mul3A_0, %mul3A_286 : i32
      %dma_start3A_288 = tpu.memref_slice %arg3[%add3A_287] : memref<160000xi32, #tpu.memory_space<hbm>> -> memref<80xi32, #tpu.memory_space<hbm>>
      %dma_start3A_289 = tpu.memref_slice %arg3[%add3A_287] : memref<160000xi32, #tpu.memory_space<hbm>> -> memref<80xi32, #tpu.memory_space<hbm>>
      tpu.enqueue_dma source(%dma_start3A_289 : memref<80xi32, #tpu.memory_space<hbm>>) target(%arg14 : memref<80xi32, #tpu.memory_space<vmem>>) target_semaphore(%arg21 : memref<!tpu.dma_semaphore, #tpu.memory_space<semaphore_mem>>)
      %mul3A_290 = arith.constant 80 : i32
      %mul3A_291 = arith.muli %sub3A_284, %mul3A_290 : i32
      %dma_start3A_292 = tpu.memref_slice %arg8[%mul3A_291] : memref<10000xi32, #tpu.memory_space<vmem>> -> memref<80xi32, #tpu.memory_space<vmem>>
      %dma_start3A_293 = arith.constant 0 : i32
      %dma_start3A_294 = arith.constant 0 : i32
      %dma_start3A_295 = tpu.memref_slice %arg5[%dma_start3A_293, %dma_start3A_294] : memref<20000x128xf32, #tpu.memory_space<hbm>> -> memref<20000x128xf32, #tpu.memory_space<hbm>>
      tpu.enqueue_indirect_dma source(%dma_start3A_295 : memref<20000x128xf32, #tpu.memory_space<hbm>>) target(%arg11 : memref<80x128xf32, #tpu.memory_space<vmem>>) offsets(%dma_start3A_292 : memref<80xi32, #tpu.memory_space<vmem>>) semaphore(%arg18 : memref<!tpu.dma_semaphore, #tpu.memory_space<semaphore_mem>>)
      %add3A_296 = arith.constant 0 : i32
      %add3A_297 = arith.addi %mul3A_279, %add3A_296 : i32
      %dma_wait3A_298 = arith.constant 0 : i32
      %dma_wait3A_299 = tpu.memref_slice %arg3[%dma_wait3A_298] : memref<160000xi32, #tpu.memory_space<hbm>> -> memref<80xi32, #tpu.memory_space<hbm>>
      %dma_wait3A_300 = arith.constant 0 : i32
      %dma_wait3A_301 = tpu.memref_slice %arg3[%dma_wait3A_300] : memref<160000xi32, #tpu.memory_space<hbm>> -> memref<80xi32, #tpu.memory_space<hbm>>
      tpu.wait_dma2 semaphore(%arg19 : memref<!tpu.dma_semaphore, #tpu.memory_space<semaphore_mem>>) src(%dma_wait3A_301 : memref<80xi32, #tpu.memory_space<hbm>>) dst(%arg12 : memref<80xi32, #tpu.memory_space<vmem>>)
      tpu.wait_dma2 semaphore(%arg16 : memref<!tpu.dma_semaphore, #tpu.memory_space<semaphore_mem>>) src(%arg6 : memref<80x128xf32, #tpu.memory_space<hbm>>) dst(%arg9 : memref<80x128xf32, #tpu.memory_space<vmem>>)
      "tpu.region"() ({
        %run_scoped3A = tpu.sem_alloc : memref<!tpu.dma_semaphore, #tpu.memory_space<semaphore_mem>>
        %dma_start3A_348 = arith.constant 0 : i32
        %dma_start3A_349 = arith.constant 0 : i32
        %dma_start3A_350 = tpu.memref_slice %arg15[%dma_start3A_348, %dma_start3A_349] : memref<10240x128xf32, #tpu.memory_space<vmem_shared>> -> memref<10240x128xf32, #tpu.memory_space<vmem_shared>>
        tpu.enqueue_indirect_dma source(%arg9 : memref<80x128xf32, #tpu.memory_space<vmem>>) target(%dma_start3A_350 : memref<10240x128xf32, #tpu.memory_space<vmem_shared>>) offsets(%arg12 : memref<80xi32, #tpu.memory_space<vmem>>) semaphore(%run_scoped3A : memref<!tpu.dma_semaphore, #tpu.memory_space<semaphore_mem>>) {add = true}
        %dma_wait3A_351 = arith.constant 0 : i32
        %dma_wait3A_352 = arith.constant 0 : i32
        %dma_wait3A_353 = tpu.memref_slice %arg15[%dma_wait3A_351, %dma_wait3A_352] : memref<10240x128xf32, #tpu.memory_space<vmem_shared>> -> memref<10240x128xf32, #tpu.memory_space<vmem_shared>>
        tpu.wait_indirect_dma semaphore(%run_scoped3A : memref<!tpu.dma_semaphore, #tpu.memory_space<semaphore_mem>>) src(%arg9 : memref<80x128xf32, #tpu.memory_space<vmem>>) dst(%dma_wait3A_353 : memref<10240x128xf32, #tpu.memory_space<vmem_shared>>)
        tpu.yield
      }) : () -> ()
      %add3A_302 = arith.constant 1 : i32
      %add3A_303 = arith.addi %mul3A_279, %add3A_302 : i32
      %add3A_304 = arith.constant 3 : i32
      %add3A_305 = arith.addi %add3A_303, %add3A_304 : i32
      %sub3A_306 = arith.constant 1 : i32
      %sub3A_307 = arith.subi %add3A_305, %sub3A_306 : i32
      %mul3A_308 = arith.constant 80 : i32
      %mul3A_309 = arith.muli %sub3A_307, %mul3A_308 : i32
      %add3A_310 = arith.addi %mul3A_0, %mul3A_309 : i32
      %dma_start3A_311 = tpu.memref_slice %arg3[%add3A_310] : memref<160000xi32, #tpu.memory_space<hbm>> -> memref<80xi32, #tpu.memory_space<hbm>>
      %dma_start3A_312 = tpu.memref_slice %arg3[%add3A_310] : memref<160000xi32, #tpu.memory_space<hbm>> -> memref<80xi32, #tpu.memory_space<hbm>>
      tpu.enqueue_dma source(%dma_start3A_312 : memref<80xi32, #tpu.memory_space<hbm>>) target(%arg12 : memref<80xi32, #tpu.memory_space<vmem>>) target_semaphore(%arg19 : memref<!tpu.dma_semaphore, #tpu.memory_space<semaphore_mem>>)
      %mul3A_313 = arith.constant 80 : i32
      %mul3A_314 = arith.muli %sub3A_307, %mul3A_313 : i32
      %dma_start3A_315 = tpu.memref_slice %arg8[%mul3A_314] : memref<10000xi32, #tpu.memory_space<vmem>> -> memref<80xi32, #tpu.memory_space<vmem>>
      %dma_start3A_316 = arith.constant 0 : i32
      %dma_start3A_317 = arith.constant 0 : i32
      %dma_start3A_318 = tpu.memref_slice %arg5[%dma_start3A_316, %dma_start3A_317] : memref<20000x128xf32, #tpu.memory_space<hbm>> -> memref<20000x128xf32, #tpu.memory_space<hbm>>
      tpu.enqueue_indirect_dma source(%dma_start3A_318 : memref<20000x128xf32, #tpu.memory_space<hbm>>) target(%arg9 : memref<80x128xf32, #tpu.memory_space<vmem>>) offsets(%dma_start3A_315 : memref<80xi32, #tpu.memory_space<vmem>>) semaphore(%arg16 : memref<!tpu.dma_semaphore, #tpu.memory_space<semaphore_mem>>)
      %add3A_319 = arith.constant 1 : i32
      %add3A_320 = arith.addi %mul3A_279, %add3A_319 : i32
      %dma_wait3A_321 = arith.constant 0 : i32
      %dma_wait3A_322 = tpu.memref_slice %arg3[%dma_wait3A_321] : memref<160000xi32, #tpu.memory_space<hbm>> -> memref<80xi32, #tpu.memory_space<hbm>>
      %dma_wait3A_323 = arith.constant 0 : i32
      %dma_wait3A_324 = tpu.memref_slice %arg3[%dma_wait3A_323] : memref<160000xi32, #tpu.memory_space<hbm>> -> memref<80xi32, #tpu.memory_space<hbm>>
      tpu.wait_dma2 semaphore(%arg20 : memref<!tpu.dma_semaphore, #tpu.memory_space<semaphore_mem>>) src(%dma_wait3A_324 : memref<80xi32, #tpu.memory_space<hbm>>) dst(%arg13 : memref<80xi32, #tpu.memory_space<vmem>>)
      tpu.wait_dma2 semaphore(%arg17 : memref<!tpu.dma_semaphore, #tpu.memory_space<semaphore_mem>>) src(%arg6 : memref<80x128xf32, #tpu.memory_space<hbm>>) dst(%arg10 : memref<80x128xf32, #tpu.memory_space<vmem>>)
      "tpu.region"() ({
        %run_scoped3A = tpu.sem_alloc : memref<!tpu.dma_semaphore, #tpu.memory_space<semaphore_mem>>
        %dma_start3A_348 = arith.constant 0 : i32
        %dma_start3A_349 = arith.constant 0 : i32
        %dma_start3A_350 = tpu.memref_slice %arg15[%dma_start3A_348, %dma_start3A_349] : memref<10240x128xf32, #tpu.memory_space<vmem_shared>> -> memref<10240x128xf32, #tpu.memory_space<vmem_shared>>
        tpu.enqueue_indirect_dma source(%arg10 : memref<80x128xf32, #tpu.memory_space<vmem>>) target(%dma_start3A_350 : memref<10240x128xf32, #tpu.memory_space<vmem_shared>>) offsets(%arg13 : memref<80xi32, #tpu.memory_space<vmem>>) semaphore(%run_scoped3A : memref<!tpu.dma_semaphore, #tpu.memory_space<semaphore_mem>>) {add = true}
        %dma_wait3A_351 = arith.constant 0 : i32
        %dma_wait3A_352 = arith.constant 0 : i32
        %dma_wait3A_353 = tpu.memref_slice %arg15[%dma_wait3A_351, %dma_wait3A_352] : memref<10240x128xf32, #tpu.memory_space<vmem_shared>> -> memref<10240x128xf32, #tpu.memory_space<vmem_shared>>
        tpu.wait_indirect_dma semaphore(%run_scoped3A : memref<!tpu.dma_semaphore, #tpu.memory_space<semaphore_mem>>) src(%arg10 : memref<80x128xf32, #tpu.memory_space<vmem>>) dst(%dma_wait3A_353 : memref<10240x128xf32, #tpu.memory_space<vmem_shared>>)
        tpu.yield
      }) : () -> ()
      %add3A_325 = arith.constant 2 : i32
      %add3A_326 = arith.addi %mul3A_279, %add3A_325 : i32
      %add3A_327 = arith.constant 3 : i32
      %add3A_328 = arith.addi %add3A_326, %add3A_327 : i32
      %sub3A_329 = arith.constant 1 : i32
      %sub3A_330 = arith.subi %add3A_328, %sub3A_329 : i32
      %mul3A_331 = arith.constant 80 : i32
      %mul3A_332 = arith.muli %sub3A_330, %mul3A_331 : i32
      %add3A_333 = arith.addi %mul3A_0, %mul3A_332 : i32
      %dma_start3A_334 = tpu.memref_slice %arg3[%add3A_333] : memref<160000xi32, #tpu.memory_space<hbm>> -> memref<80xi32, #tpu.memory_space<hbm>>
      %dma_start3A_335 = tpu.memref_slice %arg3[%add3A_333] : memref<160000xi32, #tpu.memory_space<hbm>> -> memref<80xi32, #tpu.memory_space<hbm>>
      tpu.enqueue_dma source(%dma_start3A_335 : memref<80xi32, #tpu.memory_space<hbm>>) target(%arg13 : memref<80xi32, #tpu.memory_space<vmem>>) target_semaphore(%arg20 : memref<!tpu.dma_semaphore, #tpu.memory_space<semaphore_mem>>)
      %mul3A_336 = arith.constant 80 : i32
      %mul3A_337 = arith.muli %sub3A_330, %mul3A_336 : i32
      %dma_start3A_338 = tpu.memref_slice %arg8[%mul3A_337] : memref<10000xi32, #tpu.memory_space<vmem>> -> memref<80xi32, #tpu.memory_space<vmem>>
      %dma_start3A_339 = arith.constant 0 : i32
      %dma_start3A_340 = arith.constant 0 : i32
      %dma_start3A_341 = tpu.memref_slice %arg5[%dma_start3A_339, %dma_start3A_340] : memref<20000x128xf32, #tpu.memory_space<hbm>> -> memref<20000x128xf32, #tpu.memory_space<hbm>>
      tpu.enqueue_indirect_dma source(%dma_start3A_341 : memref<20000x128xf32, #tpu.memory_space<hbm>>) target(%arg10 : memref<80x128xf32, #tpu.memory_space<vmem>>) offsets(%dma_start3A_338 : memref<80xi32, #tpu.memory_space<vmem>>) semaphore(%arg17 : memref<!tpu.dma_semaphore, #tpu.memory_space<semaphore_mem>>)
      %add3A_342 = arith.constant 2 : i32
      %add3A_343 = arith.addi %mul3A_279, %add3A_342 : i32
      %dma_wait3A_344 = arith.constant 0 : i32
      %dma_wait3A_345 = tpu.memref_slice %arg3[%dma_wait3A_344] : memref<160000xi32, #tpu.memory_space<hbm>> -> memref<80xi32, #tpu.memory_space<hbm>>
      %dma_wait3A_346 = arith.constant 0 : i32
      %dma_wait3A_347 = tpu.memref_slice %arg3[%dma_wait3A_346] : memref<160000xi32, #tpu.memory_space<hbm>> -> memref<80xi32, #tpu.memory_space<hbm>>
      tpu.wait_dma2 semaphore(%arg21 : memref<!tpu.dma_semaphore, #tpu.memory_space<semaphore_mem>>) src(%dma_wait3A_347 : memref<80xi32, #tpu.memory_space<hbm>>) dst(%arg14 : memref<80xi32, #tpu.memory_space<vmem>>)
      tpu.wait_dma2 semaphore(%arg18 : memref<!tpu.dma_semaphore, #tpu.memory_space<semaphore_mem>>) src(%arg6 : memref<80x128xf32, #tpu.memory_space<hbm>>) dst(%arg11 : memref<80x128xf32, #tpu.memory_space<vmem>>)
      "tpu.region"() ({
        %run_scoped3A = tpu.sem_alloc : memref<!tpu.dma_semaphore, #tpu.memory_space<semaphore_mem>>
        %dma_start3A_348 = arith.constant 0 : i32
        %dma_start3A_349 = arith.constant 0 : i32
        %dma_start3A_350 = tpu.memref_slice %arg15[%dma_start3A_348, %dma_start3A_349] : memref<10240x128xf32, #tpu.memory_space<vmem_shared>> -> memref<10240x128xf32, #tpu.memory_space<vmem_shared>>
        tpu.enqueue_indirect_dma source(%arg11 : memref<80x128xf32, #tpu.memory_space<vmem>>) target(%dma_start3A_350 : memref<10240x128xf32, #tpu.memory_space<vmem_shared>>) offsets(%arg14 : memref<80xi32, #tpu.memory_space<vmem>>) semaphore(%run_scoped3A : memref<!tpu.dma_semaphore, #tpu.memory_space<semaphore_mem>>) {add = true}
        %dma_wait3A_351 = arith.constant 0 : i32
        %dma_wait3A_352 = arith.constant 0 : i32
        %dma_wait3A_353 = tpu.memref_slice %arg15[%dma_wait3A_351, %dma_wait3A_352] : memref<10240x128xf32, #tpu.memory_space<vmem_shared>> -> memref<10240x128xf32, #tpu.memory_space<vmem_shared>>
        tpu.wait_indirect_dma semaphore(%run_scoped3A : memref<!tpu.dma_semaphore, #tpu.memory_space<semaphore_mem>>) src(%arg11 : memref<80x128xf32, #tpu.memory_space<vmem>>) dst(%dma_wait3A_353 : memref<10240x128xf32, #tpu.memory_space<vmem_shared>>)
        tpu.yield
      }) : () -> ()
    }
    %scan3A_194 = arith.constant 41 : i32
    %dma_wait3A_195 = arith.constant 0 : i32
    %dma_wait3A_196 = tpu.memref_slice %arg3[%dma_wait3A_195] : memref<160000xi32, #tpu.memory_space<hbm>> -> memref<80xi32, #tpu.memory_space<hbm>>
    %dma_wait3A_197 = arith.constant 0 : i32
    %dma_wait3A_198 = tpu.memref_slice %arg3[%dma_wait3A_197] : memref<160000xi32, #tpu.memory_space<hbm>> -> memref<80xi32, #tpu.memory_space<hbm>>
    tpu.wait_dma2 semaphore(%arg19 : memref<!tpu.dma_semaphore, #tpu.memory_space<semaphore_mem>>) src(%dma_wait3A_198 : memref<80xi32, #tpu.memory_space<hbm>>) dst(%arg12 : memref<80xi32, #tpu.memory_space<vmem>>)
    tpu.wait_dma2 semaphore(%arg16 : memref<!tpu.dma_semaphore, #tpu.memory_space<semaphore_mem>>) src(%arg6 : memref<80x128xf32, #tpu.memory_space<hbm>>) dst(%arg9 : memref<80x128xf32, #tpu.memory_space<vmem>>)
    "tpu.region"() ({
      %run_scoped3A = tpu.sem_alloc : memref<!tpu.dma_semaphore, #tpu.memory_space<semaphore_mem>>
      %dma_start3A_277 = arith.constant 0 : i32
      %dma_start3A_278 = arith.constant 0 : i32
      %dma_start3A_279 = tpu.memref_slice %arg15[%dma_start3A_277, %dma_start3A_278] : memref<10240x128xf32, #tpu.memory_space<vmem_shared>> -> memref<10240x128xf32, #tpu.memory_space<vmem_shared>>
      tpu.enqueue_indirect_dma source(%arg9 : memref<80x128xf32, #tpu.memory_space<vmem>>) target(%dma_start3A_279 : memref<10240x128xf32, #tpu.memory_space<vmem_shared>>) offsets(%arg12 : memref<80xi32, #tpu.memory_space<vmem>>) semaphore(%run_scoped3A : memref<!tpu.dma_semaphore, #tpu.memory_space<semaphore_mem>>) {add = true}
      %dma_wait3A_280 = arith.constant 0 : i32
      %dma_wait3A_281 = arith.constant 0 : i32
      %dma_wait3A_282 = tpu.memref_slice %arg15[%dma_wait3A_280, %dma_wait3A_281] : memref<10240x128xf32, #tpu.memory_space<vmem_shared>> -> memref<10240x128xf32, #tpu.memory_space<vmem_shared>>
      tpu.wait_indirect_dma semaphore(%run_scoped3A : memref<!tpu.dma_semaphore, #tpu.memory_space<semaphore_mem>>) src(%arg9 : memref<80x128xf32, #tpu.memory_space<vmem>>) dst(%dma_wait3A_282 : memref<10240x128xf32, #tpu.memory_space<vmem_shared>>)
      tpu.yield
    }) : () -> ()
    %dma_wait3A_199 = arith.constant 0 : i32
    %dma_wait3A_200 = tpu.memref_slice %arg3[%dma_wait3A_199] : memref<160000xi32, #tpu.memory_space<hbm>> -> memref<80xi32, #tpu.memory_space<hbm>>
    %dma_wait3A_201 = arith.constant 0 : i32
    %dma_wait3A_202 = tpu.memref_slice %arg3[%dma_wait3A_201] : memref<160000xi32, #tpu.memory_space<hbm>> -> memref<80xi32, #tpu.memory_space<hbm>>
    tpu.wait_dma2 semaphore(%arg20 : memref<!tpu.dma_semaphore, #tpu.memory_space<semaphore_mem>>) src(%dma_wait3A_202 : memref<80xi32, #tpu.memory_space<hbm>>) dst(%arg13 : memref<80xi32, #tpu.memory_space<vmem>>)
    tpu.wait_dma2 semaphore(%arg17 : memref<!tpu.dma_semaphore, #tpu.memory_space<semaphore_mem>>) src(%arg6 : memref<80x128xf32, #tpu.memory_space<hbm>>) dst(%arg10 : memref<80x128xf32, #tpu.memory_space<vmem>>)
    "tpu.region"() ({
      %run_scoped3A = tpu.sem_alloc : memref<!tpu.dma_semaphore, #tpu.memory_space<semaphore_mem>>
      %dma_start3A_277 = arith.constant 0 : i32
      %dma_start3A_278 = arith.constant 0 : i32
      %dma_start3A_279 = tpu.memref_slice %arg15[%dma_start3A_277, %dma_start3A_278] : memref<10240x128xf32, #tpu.memory_space<vmem_shared>> -> memref<10240x128xf32, #tpu.memory_space<vmem_shared>>
      tpu.enqueue_indirect_dma source(%arg10 : memref<80x128xf32, #tpu.memory_space<vmem>>) target(%dma_start3A_279 : memref<10240x128xf32, #tpu.memory_space<vmem_shared>>) offsets(%arg13 : memref<80xi32, #tpu.memory_space<vmem>>) semaphore(%run_scoped3A : memref<!tpu.dma_semaphore, #tpu.memory_space<semaphore_mem>>) {add = true}
      %dma_wait3A_280 = arith.constant 0 : i32
      %dma_wait3A_281 = arith.constant 0 : i32
      %dma_wait3A_282 = tpu.memref_slice %arg15[%dma_wait3A_280, %dma_wait3A_281] : memref<10240x128xf32, #tpu.memory_space<vmem_shared>> -> memref<10240x128xf32, #tpu.memory_space<vmem_shared>>
      tpu.wait_indirect_dma semaphore(%run_scoped3A : memref<!tpu.dma_semaphore, #tpu.memory_space<semaphore_mem>>) src(%arg10 : memref<80x128xf32, #tpu.memory_space<vmem>>) dst(%dma_wait3A_282 : memref<10240x128xf32, #tpu.memory_space<vmem_shared>>)
      tpu.yield
    }) : () -> ()
    %barrier3A_203 = arith.constant 0 : index
    tpu.barrier barrier_id(%barrier3A_203)
    %mul3A_204 = arith.constant 640 : i32
    %mul3A_205 = arith.muli %arg1, %mul3A_204 : i32
    %add3A_206 = arith.constant 0 : i32
    %add3A_207 = arith.addi %mul3A_205, %add3A_206 : i32
    "tpu.region"() ({
      %run_scoped3A = tpu.sem_alloc : memref<!tpu.dma_semaphore, #tpu.memory_space<semaphore_mem>>
      %dma_start3A_277 = arith.constant 0 : i32
      %dma_start3A_278 = tpu.memref_slice %arg15[%add3A_207, %dma_start3A_277] : memref<10240x128xf32, #tpu.memory_space<vmem_shared>> -> memref<80x128xf32, #tpu.memory_space<vmem_shared>>
      %dma_start3A_279 = arith.constant 0 : i32
      %dma_start3A_280 = tpu.memref_slice %arg15[%add3A_207, %dma_start3A_279] : memref<10240x128xf32, #tpu.memory_space<vmem_shared>> -> memref<80x128xf32, #tpu.memory_space<vmem_shared>>
      tpu.enqueue_dma source(%dma_start3A_280 : memref<80x128xf32, #tpu.memory_space<vmem_shared>>) target(%arg9 : memref<80x128xf32, #tpu.memory_space<vmem>>) target_semaphore(%run_scoped3A : memref<!tpu.dma_semaphore, #tpu.memory_space<semaphore_mem>>)
      %dma_wait3A_281 = arith.constant 0 : i32
      %dma_wait3A_282 = tpu.memref_slice %arg15[%add3A_207, %dma_wait3A_281] : memref<10240x128xf32, #tpu.memory_space<vmem_shared>> -> memref<80x128xf32, #tpu.memory_space<vmem_shared>>
      %dma_wait3A_283 = arith.constant 0 : i32
      %dma_wait3A_284 = tpu.memref_slice %arg15[%add3A_207, %dma_wait3A_283] : memref<10240x128xf32, #tpu.memory_space<vmem_shared>> -> memref<80x128xf32, #tpu.memory_space<vmem_shared>>
      tpu.wait_dma2 semaphore(%run_scoped3A : memref<!tpu.dma_semaphore, #tpu.memory_space<semaphore_mem>>) src(%dma_wait3A_284 : memref<80x128xf32, #tpu.memory_space<vmem_shared>>) dst(%arg9 : memref<80x128xf32, #tpu.memory_space<vmem>>)
      tpu.yield
    }) : () -> ()
    %add3A_208 = arith.constant 2 : i32
    %add3A_209 = arith.addi %add3A_208, %arg0 : i32
    %mul3A_210 = arith.constant 10240 : i32
    %mul3A_211 = arith.muli %add3A_209, %mul3A_210 : i32
    %add3A_212 = arith.addi %mul3A_211, %add3A_207 : i32
    "tpu.region"() ({
      %run_scoped3A = tpu.sem_alloc : memref<!tpu.dma_semaphore, #tpu.memory_space<semaphore_mem>>
      %dma_start3A_277 = arith.constant 0 : i32
      %dma_start3A_278 = tpu.memref_slice %arg7[%add3A_212, %dma_start3A_277] : memref<40960x128xf32, #tpu.memory_space<hbm>> -> memref<80x128xf32, #tpu.memory_space<hbm>>
      %dma_start3A_279 = arith.constant 0 : i32
      %dma_start3A_280 = tpu.memref_slice %arg7[%add3A_212, %dma_start3A_279] : memref<40960x128xf32, #tpu.memory_space<hbm>> -> memref<80x128xf32, #tpu.memory_space<hbm>>
      tpu.enqueue_dma source(%arg9 : memref<80x128xf32, #tpu.memory_space<vmem>>) target(%dma_start3A_280 : memref<80x128xf32, #tpu.memory_space<hbm>>) target_semaphore(%run_scoped3A : memref<!tpu.dma_semaphore, #tpu.memory_space<semaphore_mem>>)
      %dma_wait3A_281 = arith.constant 0 : i32
      %dma_wait3A_282 = tpu.memref_slice %arg7[%add3A_212, %dma_wait3A_281] : memref<40960x128xf32, #tpu.memory_space<hbm>> -> memref<80x128xf32, #tpu.memory_space<hbm>>
      %dma_wait3A_283 = arith.constant 0 : i32
      %dma_wait3A_284 = tpu.memref_slice %arg7[%add3A_212, %dma_wait3A_283] : memref<40960x128xf32, #tpu.memory_space<hbm>> -> memref<80x128xf32, #tpu.memory_space<hbm>>
      tpu.wait_dma2 semaphore(%run_scoped3A : memref<!tpu.dma_semaphore, #tpu.memory_space<semaphore_mem>>) src(%arg9 : memref<80x128xf32, #tpu.memory_space<vmem>>) dst(%dma_wait3A_284 : memref<80x128xf32, #tpu.memory_space<hbm>>)
      tpu.yield
    }) : () -> ()
    %mul3A_213 = arith.constant 640 : i32
    %mul3A_214 = arith.muli %arg1, %mul3A_213 : i32
    %add3A_215 = arith.constant 80 : i32
    %add3A_216 = arith.addi %mul3A_214, %add3A_215 : i32
    "tpu.region"() ({
      %run_scoped3A = tpu.sem_alloc : memref<!tpu.dma_semaphore, #tpu.memory_space<semaphore_mem>>
      %dma_start3A_277 = arith.constant 0 : i32
      %dma_start3A_278 = tpu.memref_slice %arg15[%add3A_216, %dma_start3A_277] : memref<10240x128xf32, #tpu.memory_space<vmem_shared>> -> memref<80x128xf32, #tpu.memory_space<vmem_shared>>
      %dma_start3A_279 = arith.constant 0 : i32
      %dma_start3A_280 = tpu.memref_slice %arg15[%add3A_216, %dma_start3A_279] : memref<10240x128xf32, #tpu.memory_space<vmem_shared>> -> memref<80x128xf32, #tpu.memory_space<vmem_shared>>
      tpu.enqueue_dma source(%dma_start3A_280 : memref<80x128xf32, #tpu.memory_space<vmem_shared>>) target(%arg9 : memref<80x128xf32, #tpu.memory_space<vmem>>) target_semaphore(%run_scoped3A : memref<!tpu.dma_semaphore, #tpu.memory_space<semaphore_mem>>)
      %dma_wait3A_281 = arith.constant 0 : i32
      %dma_wait3A_282 = tpu.memref_slice %arg15[%add3A_216, %dma_wait3A_281] : memref<10240x128xf32, #tpu.memory_space<vmem_shared>> -> memref<80x128xf32, #tpu.memory_space<vmem_shared>>
      %dma_wait3A_283 = arith.constant 0 : i32
      %dma_wait3A_284 = tpu.memref_slice %arg15[%add3A_216, %dma_wait3A_283] : memref<10240x128xf32, #tpu.memory_space<vmem_shared>> -> memref<80x128xf32, #tpu.memory_space<vmem_shared>>
      tpu.wait_dma2 semaphore(%run_scoped3A : memref<!tpu.dma_semaphore, #tpu.memory_space<semaphore_mem>>) src(%dma_wait3A_284 : memref<80x128xf32, #tpu.memory_space<vmem_shared>>) dst(%arg9 : memref<80x128xf32, #tpu.memory_space<vmem>>)
      tpu.yield
    }) : () -> ()
    %add3A_217 = arith.constant 2 : i32
    %add3A_218 = arith.addi %add3A_217, %arg0 : i32
    %mul3A_219 = arith.constant 10240 : i32
    %mul3A_220 = arith.muli %add3A_218, %mul3A_219 : i32
    %add3A_221 = arith.addi %mul3A_220, %add3A_216 : i32
    "tpu.region"() ({
      %run_scoped3A = tpu.sem_alloc : memref<!tpu.dma_semaphore, #tpu.memory_space<semaphore_mem>>
      %dma_start3A_277 = arith.constant 0 : i32
      %dma_start3A_278 = tpu.memref_slice %arg7[%add3A_221, %dma_start3A_277] : memref<40960x128xf32, #tpu.memory_space<hbm>> -> memref<80x128xf32, #tpu.memory_space<hbm>>
      %dma_start3A_279 = arith.constant 0 : i32
      %dma_start3A_280 = tpu.memref_slice %arg7[%add3A_221, %dma_start3A_279] : memref<40960x128xf32, #tpu.memory_space<hbm>> -> memref<80x128xf32, #tpu.memory_space<hbm>>
      tpu.enqueue_dma source(%arg9 : memref<80x128xf32, #tpu.memory_space<vmem>>) target(%dma_start3A_280 : memref<80x128xf32, #tpu.memory_space<hbm>>) target_semaphore(%run_scoped3A : memref<!tpu.dma_semaphore, #tpu.memory_space<semaphore_mem>>)
      %dma_wait3A_281 = arith.constant 0 : i32
      %dma_wait3A_282 = tpu.memref_slice %arg7[%add3A_221, %dma_wait3A_281] : memref<40960x128xf32, #tpu.memory_space<hbm>> -> memref<80x128xf32, #tpu.memory_space<hbm>>
      %dma_wait3A_283 = arith.constant 0 : i32
      %dma_wait3A_284 = tpu.memref_slice %arg7[%add3A_221, %dma_wait3A_283] : memref<40960x128xf32, #tpu.memory_space<hbm>> -> memref<80x128xf32, #tpu.memory_space<hbm>>
      tpu.wait_dma2 semaphore(%run_scoped3A : memref<!tpu.dma_semaphore, #tpu.memory_space<semaphore_mem>>) src(%arg9 : memref<80x128xf32, #tpu.memory_space<vmem>>) dst(%dma_wait3A_284 : memref<80x128xf32, #tpu.memory_space<hbm>>)
      tpu.yield
    }) : () -> ()
    %mul3A_222 = arith.constant 640 : i32
    %mul3A_223 = arith.muli %arg1, %mul3A_222 : i32
    %add3A_224 = arith.constant 160 : i32
    %add3A_225 = arith.addi %mul3A_223, %add3A_224 : i32
    "tpu.region"() ({
      %run_scoped3A = tpu.sem_alloc : memref<!tpu.dma_semaphore, #tpu.memory_space<semaphore_mem>>
      %dma_start3A_277 = arith.constant 0 : i32
      %dma_start3A_278 = tpu.memref_slice %arg15[%add3A_225, %dma_start3A_277] : memref<10240x128xf32, #tpu.memory_space<vmem_shared>> -> memref<80x128xf32, #tpu.memory_space<vmem_shared>>
      %dma_start3A_279 = arith.constant 0 : i32
      %dma_start3A_280 = tpu.memref_slice %arg15[%add3A_225, %dma_start3A_279] : memref<10240x128xf32, #tpu.memory_space<vmem_shared>> -> memref<80x128xf32, #tpu.memory_space<vmem_shared>>
      tpu.enqueue_dma source(%dma_start3A_280 : memref<80x128xf32, #tpu.memory_space<vmem_shared>>) target(%arg9 : memref<80x128xf32, #tpu.memory_space<vmem>>) target_semaphore(%run_scoped3A : memref<!tpu.dma_semaphore, #tpu.memory_space<semaphore_mem>>)
      %dma_wait3A_281 = arith.constant 0 : i32
      %dma_wait3A_282 = tpu.memref_slice %arg15[%add3A_225, %dma_wait3A_281] : memref<10240x128xf32, #tpu.memory_space<vmem_shared>> -> memref<80x128xf32, #tpu.memory_space<vmem_shared>>
      %dma_wait3A_283 = arith.constant 0 : i32
      %dma_wait3A_284 = tpu.memref_slice %arg15[%add3A_225, %dma_wait3A_283] : memref<10240x128xf32, #tpu.memory_space<vmem_shared>> -> memref<80x128xf32, #tpu.memory_space<vmem_shared>>
      tpu.wait_dma2 semaphore(%run_scoped3A : memref<!tpu.dma_semaphore, #tpu.memory_space<semaphore_mem>>) src(%dma_wait3A_284 : memref<80x128xf32, #tpu.memory_space<vmem_shared>>) dst(%arg9 : memref<80x128xf32, #tpu.memory_space<vmem>>)
      tpu.yield
    }) : () -> ()
    %add3A_226 = arith.constant 2 : i32
    %add3A_227 = arith.addi %add3A_226, %arg0 : i32
    %mul3A_228 = arith.constant 10240 : i32
    %mul3A_229 = arith.muli %add3A_227, %mul3A_228 : i32
    %add3A_230 = arith.addi %mul3A_229, %add3A_225 : i32
    "tpu.region"() ({
      %run_scoped3A = tpu.sem_alloc : memref<!tpu.dma_semaphore, #tpu.memory_space<semaphore_mem>>
      %dma_start3A_277 = arith.constant 0 : i32
      %dma_start3A_278 = tpu.memref_slice %arg7[%add3A_230, %dma_start3A_277] : memref<40960x128xf32, #tpu.memory_space<hbm>> -> memref<80x128xf32, #tpu.memory_space<hbm>>
      %dma_start3A_279 = arith.constant 0 : i32
      %dma_start3A_280 = tpu.memref_slice %arg7[%add3A_230, %dma_start3A_279] : memref<40960x128xf32, #tpu.memory_space<hbm>> -> memref<80x128xf32, #tpu.memory_space<hbm>>
      tpu.enqueue_dma source(%arg9 : memref<80x128xf32, #tpu.memory_space<vmem>>) target(%dma_start3A_280 : memref<80x128xf32, #tpu.memory_space<hbm>>) target_semaphore(%run_scoped3A : memref<!tpu.dma_semaphore, #tpu.memory_space<semaphore_mem>>)
      %dma_wait3A_281 = arith.constant 0 : i32
      %dma_wait3A_282 = tpu.memref_slice %arg7[%add3A_230, %dma_wait3A_281] : memref<40960x128xf32, #tpu.memory_space<hbm>> -> memref<80x128xf32, #tpu.memory_space<hbm>>
      %dma_wait3A_283 = arith.constant 0 : i32
      %dma_wait3A_284 = tpu.memref_slice %arg7[%add3A_230, %dma_wait3A_283] : memref<40960x128xf32, #tpu.memory_space<hbm>> -> memref<80x128xf32, #tpu.memory_space<hbm>>
      tpu.wait_dma2 semaphore(%run_scoped3A : memref<!tpu.dma_semaphore, #tpu.memory_space<semaphore_mem>>) src(%arg9 : memref<80x128xf32, #tpu.memory_space<vmem>>) dst(%dma_wait3A_284 : memref<80x128xf32, #tpu.memory_space<hbm>>)
      tpu.yield
    }) : () -> ()
    %mul3A_231 = arith.constant 640 : i32
    %mul3A_232 = arith.muli %arg1, %mul3A_231 : i32
    %add3A_233 = arith.constant 240 : i32
    %add3A_234 = arith.addi %mul3A_232, %add3A_233 : i32
    "tpu.region"() ({
      %run_scoped3A = tpu.sem_alloc : memref<!tpu.dma_semaphore, #tpu.memory_space<semaphore_mem>>
      %dma_start3A_277 = arith.constant 0 : i32
      %dma_start3A_278 = tpu.memref_slice %arg15[%add3A_234, %dma_start3A_277] : memref<10240x128xf32, #tpu.memory_space<vmem_shared>> -> memref<80x128xf32, #tpu.memory_space<vmem_shared>>
      %dma_start3A_279 = arith.constant 0 : i32
      %dma_start3A_280 = tpu.memref_slice %arg15[%add3A_234, %dma_start3A_279] : memref<10240x128xf32, #tpu.memory_space<vmem_shared>> -> memref<80x128xf32, #tpu.memory_space<vmem_shared>>
      tpu.enqueue_dma source(%dma_start3A_280 : memref<80x128xf32, #tpu.memory_space<vmem_shared>>) target(%arg9 : memref<80x128xf32, #tpu.memory_space<vmem>>) target_semaphore(%run_scoped3A : memref<!tpu.dma_semaphore, #tpu.memory_space<semaphore_mem>>)
      %dma_wait3A_281 = arith.constant 0 : i32
      %dma_wait3A_282 = tpu.memref_slice %arg15[%add3A_234, %dma_wait3A_281] : memref<10240x128xf32, #tpu.memory_space<vmem_shared>> -> memref<80x128xf32, #tpu.memory_space<vmem_shared>>
      %dma_wait3A_283 = arith.constant 0 : i32
      %dma_wait3A_284 = tpu.memref_slice %arg15[%add3A_234, %dma_wait3A_283] : memref<10240x128xf32, #tpu.memory_space<vmem_shared>> -> memref<80x128xf32, #tpu.memory_space<vmem_shared>>
      tpu.wait_dma2 semaphore(%run_scoped3A : memref<!tpu.dma_semaphore, #tpu.memory_space<semaphore_mem>>) src(%dma_wait3A_284 : memref<80x128xf32, #tpu.memory_space<vmem_shared>>) dst(%arg9 : memref<80x128xf32, #tpu.memory_space<vmem>>)
      tpu.yield
    }) : () -> ()
    %add3A_235 = arith.constant 2 : i32
    %add3A_236 = arith.addi %add3A_235, %arg0 : i32
    %mul3A_237 = arith.constant 10240 : i32
    %mul3A_238 = arith.muli %add3A_236, %mul3A_237 : i32
    %add3A_239 = arith.addi %mul3A_238, %add3A_234 : i32
    "tpu.region"() ({
      %run_scoped3A = tpu.sem_alloc : memref<!tpu.dma_semaphore, #tpu.memory_space<semaphore_mem>>
      %dma_start3A_277 = arith.constant 0 : i32
      %dma_start3A_278 = tpu.memref_slice %arg7[%add3A_239, %dma_start3A_277] : memref<40960x128xf32, #tpu.memory_space<hbm>> -> memref<80x128xf32, #tpu.memory_space<hbm>>
      %dma_start3A_279 = arith.constant 0 : i32
      %dma_start3A_280 = tpu.memref_slice %arg7[%add3A_239, %dma_start3A_279] : memref<40960x128xf32, #tpu.memory_space<hbm>> -> memref<80x128xf32, #tpu.memory_space<hbm>>
      tpu.enqueue_dma source(%arg9 : memref<80x128xf32, #tpu.memory_space<vmem>>) target(%dma_start3A_280 : memref<80x128xf32, #tpu.memory_space<hbm>>) target_semaphore(%run_scoped3A : memref<!tpu.dma_semaphore, #tpu.memory_space<semaphore_mem>>)
      %dma_wait3A_281 = arith.constant 0 : i32
      %dma_wait3A_282 = tpu.memref_slice %arg7[%add3A_239, %dma_wait3A_281] : memref<40960x128xf32, #tpu.memory_space<hbm>> -> memref<80x128xf32, #tpu.memory_space<hbm>>
      %dma_wait3A_283 = arith.constant 0 : i32
      %dma_wait3A_284 = tpu.memref_slice %arg7[%add3A_239, %dma_wait3A_283] : memref<40960x128xf32, #tpu.memory_space<hbm>> -> memref<80x128xf32, #tpu.memory_space<hbm>>
      tpu.wait_dma2 semaphore(%run_scoped3A : memref<!tpu.dma_semaphore, #tpu.memory_space<semaphore_mem>>) src(%arg9 : memref<80x128xf32, #tpu.memory_space<vmem>>) dst(%dma_wait3A_284 : memref<80x128xf32, #tpu.memory_space<hbm>>)
      tpu.yield
    }) : () -> ()
    %mul3A_240 = arith.constant 640 : i32
    %mul3A_241 = arith.muli %arg1, %mul3A_240 : i32
    %add3A_242 = arith.constant 320 : i32
    %add3A_243 = arith.addi %mul3A_241, %add3A_242 : i32
    "tpu.region"() ({
      %run_scoped3A = tpu.sem_alloc : memref<!tpu.dma_semaphore, #tpu.memory_space<semaphore_mem>>
      %dma_start3A_277 = arith.constant 0 : i32
      %dma_start3A_278 = tpu.memref_slice %arg15[%add3A_243, %dma_start3A_277] : memref<10240x128xf32, #tpu.memory_space<vmem_shared>> -> memref<80x128xf32, #tpu.memory_space<vmem_shared>>
      %dma_start3A_279 = arith.constant 0 : i32
      %dma_start3A_280 = tpu.memref_slice %arg15[%add3A_243, %dma_start3A_279] : memref<10240x128xf32, #tpu.memory_space<vmem_shared>> -> memref<80x128xf32, #tpu.memory_space<vmem_shared>>
      tpu.enqueue_dma source(%dma_start3A_280 : memref<80x128xf32, #tpu.memory_space<vmem_shared>>) target(%arg9 : memref<80x128xf32, #tpu.memory_space<vmem>>) target_semaphore(%run_scoped3A : memref<!tpu.dma_semaphore, #tpu.memory_space<semaphore_mem>>)
      %dma_wait3A_281 = arith.constant 0 : i32
      %dma_wait3A_282 = tpu.memref_slice %arg15[%add3A_243, %dma_wait3A_281] : memref<10240x128xf32, #tpu.memory_space<vmem_shared>> -> memref<80x128xf32, #tpu.memory_space<vmem_shared>>
      %dma_wait3A_283 = arith.constant 0 : i32
      %dma_wait3A_284 = tpu.memref_slice %arg15[%add3A_243, %dma_wait3A_283] : memref<10240x128xf32, #tpu.memory_space<vmem_shared>> -> memref<80x128xf32, #tpu.memory_space<vmem_shared>>
      tpu.wait_dma2 semaphore(%run_scoped3A : memref<!tpu.dma_semaphore, #tpu.memory_space<semaphore_mem>>) src(%dma_wait3A_284 : memref<80x128xf32, #tpu.memory_space<vmem_shared>>) dst(%arg9 : memref<80x128xf32, #tpu.memory_space<vmem>>)
      tpu.yield
    }) : () -> ()
    %add3A_244 = arith.constant 2 : i32
    %add3A_245 = arith.addi %add3A_244, %arg0 : i32
    %mul3A_246 = arith.constant 10240 : i32
    %mul3A_247 = arith.muli %add3A_245, %mul3A_246 : i32
    %add3A_248 = arith.addi %mul3A_247, %add3A_243 : i32
    "tpu.region"() ({
      %run_scoped3A = tpu.sem_alloc : memref<!tpu.dma_semaphore, #tpu.memory_space<semaphore_mem>>
      %dma_start3A_277 = arith.constant 0 : i32
      %dma_start3A_278 = tpu.memref_slice %arg7[%add3A_248, %dma_start3A_277] : memref<40960x128xf32, #tpu.memory_space<hbm>> -> memref<80x128xf32, #tpu.memory_space<hbm>>
      %dma_start3A_279 = arith.constant 0 : i32
      %dma_start3A_280 = tpu.memref_slice %arg7[%add3A_248, %dma_start3A_279] : memref<40960x128xf32, #tpu.memory_space<hbm>> -> memref<80x128xf32, #tpu.memory_space<hbm>>
      tpu.enqueue_dma source(%arg9 : memref<80x128xf32, #tpu.memory_space<vmem>>) target(%dma_start3A_280 : memref<80x128xf32, #tpu.memory_space<hbm>>) target_semaphore(%run_scoped3A : memref<!tpu.dma_semaphore, #tpu.memory_space<semaphore_mem>>)
      %dma_wait3A_281 = arith.constant 0 : i32
      %dma_wait3A_282 = tpu.memref_slice %arg7[%add3A_248, %dma_wait3A_281] : memref<40960x128xf32, #tpu.memory_space<hbm>> -> memref<80x128xf32, #tpu.memory_space<hbm>>
      %dma_wait3A_283 = arith.constant 0 : i32
      %dma_wait3A_284 = tpu.memref_slice %arg7[%add3A_248, %dma_wait3A_283] : memref<40960x128xf32, #tpu.memory_space<hbm>> -> memref<80x128xf32, #tpu.memory_space<hbm>>
      tpu.wait_dma2 semaphore(%run_scoped3A : memref<!tpu.dma_semaphore, #tpu.memory_space<semaphore_mem>>) src(%arg9 : memref<80x128xf32, #tpu.memory_space<vmem>>) dst(%dma_wait3A_284 : memref<80x128xf32, #tpu.memory_space<hbm>>)
      tpu.yield
    }) : () -> ()
    %mul3A_249 = arith.constant 640 : i32
    %mul3A_250 = arith.muli %arg1, %mul3A_249 : i32
    %add3A_251 = arith.constant 400 : i32
    %add3A_252 = arith.addi %mul3A_250, %add3A_251 : i32
    "tpu.region"() ({
      %run_scoped3A = tpu.sem_alloc : memref<!tpu.dma_semaphore, #tpu.memory_space<semaphore_mem>>
      %dma_start3A_277 = arith.constant 0 : i32
      %dma_start3A_278 = tpu.memref_slice %arg15[%add3A_252, %dma_start3A_277] : memref<10240x128xf32, #tpu.memory_space<vmem_shared>> -> memref<80x128xf32, #tpu.memory_space<vmem_shared>>
      %dma_start3A_279 = arith.constant 0 : i32
      %dma_start3A_280 = tpu.memref_slice %arg15[%add3A_252, %dma_start3A_279] : memref<10240x128xf32, #tpu.memory_space<vmem_shared>> -> memref<80x128xf32, #tpu.memory_space<vmem_shared>>
      tpu.enqueue_dma source(%dma_start3A_280 : memref<80x128xf32, #tpu.memory_space<vmem_shared>>) target(%arg9 : memref<80x128xf32, #tpu.memory_space<vmem>>) target_semaphore(%run_scoped3A : memref<!tpu.dma_semaphore, #tpu.memory_space<semaphore_mem>>)
      %dma_wait3A_281 = arith.constant 0 : i32
      %dma_wait3A_282 = tpu.memref_slice %arg15[%add3A_252, %dma_wait3A_281] : memref<10240x128xf32, #tpu.memory_space<vmem_shared>> -> memref<80x128xf32, #tpu.memory_space<vmem_shared>>
      %dma_wait3A_283 = arith.constant 0 : i32
      %dma_wait3A_284 = tpu.memref_slice %arg15[%add3A_252, %dma_wait3A_283] : memref<10240x128xf32, #tpu.memory_space<vmem_shared>> -> memref<80x128xf32, #tpu.memory_space<vmem_shared>>
      tpu.wait_dma2 semaphore(%run_scoped3A : memref<!tpu.dma_semaphore, #tpu.memory_space<semaphore_mem>>) src(%dma_wait3A_284 : memref<80x128xf32, #tpu.memory_space<vmem_shared>>) dst(%arg9 : memref<80x128xf32, #tpu.memory_space<vmem>>)
      tpu.yield
    }) : () -> ()
    %add3A_253 = arith.constant 2 : i32
    %add3A_254 = arith.addi %add3A_253, %arg0 : i32
    %mul3A_255 = arith.constant 10240 : i32
    %mul3A_256 = arith.muli %add3A_254, %mul3A_255 : i32
    %add3A_257 = arith.addi %mul3A_256, %add3A_252 : i32
    "tpu.region"() ({
      %run_scoped3A = tpu.sem_alloc : memref<!tpu.dma_semaphore, #tpu.memory_space<semaphore_mem>>
      %dma_start3A_277 = arith.constant 0 : i32
      %dma_start3A_278 = tpu.memref_slice %arg7[%add3A_257, %dma_start3A_277] : memref<40960x128xf32, #tpu.memory_space<hbm>> -> memref<80x128xf32, #tpu.memory_space<hbm>>
      %dma_start3A_279 = arith.constant 0 : i32
      %dma_start3A_280 = tpu.memref_slice %arg7[%add3A_257, %dma_start3A_279] : memref<40960x128xf32, #tpu.memory_space<hbm>> -> memref<80x128xf32, #tpu.memory_space<hbm>>
      tpu.enqueue_dma source(%arg9 : memref<80x128xf32, #tpu.memory_space<vmem>>) target(%dma_start3A_280 : memref<80x128xf32, #tpu.memory_space<hbm>>) target_semaphore(%run_scoped3A : memref<!tpu.dma_semaphore, #tpu.memory_space<semaphore_mem>>)
      %dma_wait3A_281 = arith.constant 0 : i32
      %dma_wait3A_282 = tpu.memref_slice %arg7[%add3A_257, %dma_wait3A_281] : memref<40960x128xf32, #tpu.memory_space<hbm>> -> memref<80x128xf32, #tpu.memory_space<hbm>>
      %dma_wait3A_283 = arith.constant 0 : i32
      %dma_wait3A_284 = tpu.memref_slice %arg7[%add3A_257, %dma_wait3A_283] : memref<40960x128xf32, #tpu.memory_space<hbm>> -> memref<80x128xf32, #tpu.memory_space<hbm>>
      tpu.wait_dma2 semaphore(%run_scoped3A : memref<!tpu.dma_semaphore, #tpu.memory_space<semaphore_mem>>) src(%arg9 : memref<80x128xf32, #tpu.memory_space<vmem>>) dst(%dma_wait3A_284 : memref<80x128xf32, #tpu.memory_space<hbm>>)
      tpu.yield
    }) : () -> ()
    %mul3A_258 = arith.constant 640 : i32
    %mul3A_259 = arith.muli %arg1, %mul3A_258 : i32
    %add3A_260 = arith.constant 480 : i32
    %add3A_261 = arith.addi %mul3A_259, %add3A_260 : i32
    "tpu.region"() ({
      %run_scoped3A = tpu.sem_alloc : memref<!tpu.dma_semaphore, #tpu.memory_space<semaphore_mem>>
      %dma_start3A_277 = arith.constant 0 : i32
      %dma_start3A_278 = tpu.memref_slice %arg15[%add3A_261, %dma_start3A_277] : memref<10240x128xf32, #tpu.memory_space<vmem_shared>> -> memref<80x128xf32, #tpu.memory_space<vmem_shared>>
      %dma_start3A_279 = arith.constant 0 : i32
      %dma_start3A_280 = tpu.memref_slice %arg15[%add3A_261, %dma_start3A_279] : memref<10240x128xf32, #tpu.memory_space<vmem_shared>> -> memref<80x128xf32, #tpu.memory_space<vmem_shared>>
      tpu.enqueue_dma source(%dma_start3A_280 : memref<80x128xf32, #tpu.memory_space<vmem_shared>>) target(%arg9 : memref<80x128xf32, #tpu.memory_space<vmem>>) target_semaphore(%run_scoped3A : memref<!tpu.dma_semaphore, #tpu.memory_space<semaphore_mem>>)
      %dma_wait3A_281 = arith.constant 0 : i32
      %dma_wait3A_282 = tpu.memref_slice %arg15[%add3A_261, %dma_wait3A_281] : memref<10240x128xf32, #tpu.memory_space<vmem_shared>> -> memref<80x128xf32, #tpu.memory_space<vmem_shared>>
      %dma_wait3A_283 = arith.constant 0 : i32
      %dma_wait3A_284 = tpu.memref_slice %arg15[%add3A_261, %dma_wait3A_283] : memref<10240x128xf32, #tpu.memory_space<vmem_shared>> -> memref<80x128xf32, #tpu.memory_space<vmem_shared>>
      tpu.wait_dma2 semaphore(%run_scoped3A : memref<!tpu.dma_semaphore, #tpu.memory_space<semaphore_mem>>) src(%dma_wait3A_284 : memref<80x128xf32, #tpu.memory_space<vmem_shared>>) dst(%arg9 : memref<80x128xf32, #tpu.memory_space<vmem>>)
      tpu.yield
    }) : () -> ()
    %add3A_262 = arith.constant 2 : i32
    %add3A_263 = arith.addi %add3A_262, %arg0 : i32
    %mul3A_264 = arith.constant 10240 : i32
    %mul3A_265 = arith.muli %add3A_263, %mul3A_264 : i32
    %add3A_266 = arith.addi %mul3A_265, %add3A_261 : i32
    "tpu.region"() ({
      %run_scoped3A = tpu.sem_alloc : memref<!tpu.dma_semaphore, #tpu.memory_space<semaphore_mem>>
      %dma_start3A_277 = arith.constant 0 : i32
      %dma_start3A_278 = tpu.memref_slice %arg7[%add3A_266, %dma_start3A_277] : memref<40960x128xf32, #tpu.memory_space<hbm>> -> memref<80x128xf32, #tpu.memory_space<hbm>>
      %dma_start3A_279 = arith.constant 0 : i32
      %dma_start3A_280 = tpu.memref_slice %arg7[%add3A_266, %dma_start3A_279] : memref<40960x128xf32, #tpu.memory_space<hbm>> -> memref<80x128xf32, #tpu.memory_space<hbm>>
      tpu.enqueue_dma source(%arg9 : memref<80x128xf32, #tpu.memory_space<vmem>>) target(%dma_start3A_280 : memref<80x128xf32, #tpu.memory_space<hbm>>) target_semaphore(%run_scoped3A : memref<!tpu.dma_semaphore, #tpu.memory_space<semaphore_mem>>)
      %dma_wait3A_281 = arith.constant 0 : i32
      %dma_wait3A_282 = tpu.memref_slice %arg7[%add3A_266, %dma_wait3A_281] : memref<40960x128xf32, #tpu.memory_space<hbm>> -> memref<80x128xf32, #tpu.memory_space<hbm>>
      %dma_wait3A_283 = arith.constant 0 : i32
      %dma_wait3A_284 = tpu.memref_slice %arg7[%add3A_266, %dma_wait3A_283] : memref<40960x128xf32, #tpu.memory_space<hbm>> -> memref<80x128xf32, #tpu.memory_space<hbm>>
      tpu.wait_dma2 semaphore(%run_scoped3A : memref<!tpu.dma_semaphore, #tpu.memory_space<semaphore_mem>>) src(%arg9 : memref<80x128xf32, #tpu.memory_space<vmem>>) dst(%dma_wait3A_284 : memref<80x128xf32, #tpu.memory_space<hbm>>)
      tpu.yield
    }) : () -> ()
    %mul3A_267 = arith.constant 640 : i32
    %mul3A_268 = arith.muli %arg1, %mul3A_267 : i32
    %add3A_269 = arith.constant 560 : i32
    %add3A_270 = arith.addi %mul3A_268, %add3A_269 : i32
    "tpu.region"() ({
      %run_scoped3A = tpu.sem_alloc : memref<!tpu.dma_semaphore, #tpu.memory_space<semaphore_mem>>
      %dma_start3A_277 = arith.constant 0 : i32
      %dma_start3A_278 = tpu.memref_slice %arg15[%add3A_270, %dma_start3A_277] : memref<10240x128xf32, #tpu.memory_space<vmem_shared>> -> memref<80x128xf32, #tpu.memory_space<vmem_shared>>
      %dma_start3A_279 = arith.constant 0 : i32
      %dma_start3A_280 = tpu.memref_slice %arg15[%add3A_270, %dma_start3A_279] : memref<10240x128xf32, #tpu.memory_space<vmem_shared>> -> memref<80x128xf32, #tpu.memory_space<vmem_shared>>
      tpu.enqueue_dma source(%dma_start3A_280 : memref<80x128xf32, #tpu.memory_space<vmem_shared>>) target(%arg9 : memref<80x128xf32, #tpu.memory_space<vmem>>) target_semaphore(%run_scoped3A : memref<!tpu.dma_semaphore, #tpu.memory_space<semaphore_mem>>)
      %dma_wait3A_281 = arith.constant 0 : i32
      %dma_wait3A_282 = tpu.memref_slice %arg15[%add3A_270, %dma_wait3A_281] : memref<10240x128xf32, #tpu.memory_space<vmem_shared>> -> memref<80x128xf32, #tpu.memory_space<vmem_shared>>
      %dma_wait3A_283 = arith.constant 0 : i32
      %dma_wait3A_284 = tpu.memref_slice %arg15[%add3A_270, %dma_wait3A_283] : memref<10240x128xf32, #tpu.memory_space<vmem_shared>> -> memref<80x128xf32, #tpu.memory_space<vmem_shared>>
      tpu.wait_dma2 semaphore(%run_scoped3A : memref<!tpu.dma_semaphore, #tpu.memory_space<semaphore_mem>>) src(%dma_wait3A_284 : memref<80x128xf32, #tpu.memory_space<vmem_shared>>) dst(%arg9 : memref<80x128xf32, #tpu.memory_space<vmem>>)
      tpu.yield
    }) : () -> ()
    %add3A_271 = arith.constant 2 : i32
    %add3A_272 = arith.addi %add3A_271, %arg0 : i32
    %mul3A_273 = arith.constant 10240 : i32
    %mul3A_274 = arith.muli %add3A_272, %mul3A_273 : i32
    %add3A_275 = arith.addi %mul3A_274, %add3A_270 : i32
    "tpu.region"() ({
      %run_scoped3A = tpu.sem_alloc : memref<!tpu.dma_semaphore, #tpu.memory_space<semaphore_mem>>
      %dma_start3A_277 = arith.constant 0 : i32
      %dma_start3A_278 = tpu.memref_slice %arg7[%add3A_275, %dma_start3A_277] : memref<40960x128xf32, #tpu.memory_space<hbm>> -> memref<80x128xf32, #tpu.memory_space<hbm>>
      %dma_start3A_279 = arith.constant 0 : i32
      %dma_start3A_280 = tpu.memref_slice %arg7[%add3A_275, %dma_start3A_279] : memref<40960x128xf32, #tpu.memory_space<hbm>> -> memref<80x128xf32, #tpu.memory_space<hbm>>
      tpu.enqueue_dma source(%arg9 : memref<80x128xf32, #tpu.memory_space<vmem>>) target(%dma_start3A_280 : memref<80x128xf32, #tpu.memory_space<hbm>>) target_semaphore(%run_scoped3A : memref<!tpu.dma_semaphore, #tpu.memory_space<semaphore_mem>>)
      %dma_wait3A_281 = arith.constant 0 : i32
      %dma_wait3A_282 = tpu.memref_slice %arg7[%add3A_275, %dma_wait3A_281] : memref<40960x128xf32, #tpu.memory_space<hbm>> -> memref<80x128xf32, #tpu.memory_space<hbm>>
      %dma_wait3A_283 = arith.constant 0 : i32
      %dma_wait3A_284 = tpu.memref_slice %arg7[%add3A_275, %dma_wait3A_283] : memref<40960x128xf32, #tpu.memory_space<hbm>> -> memref<80x128xf32, #tpu.memory_space<hbm>>
      tpu.wait_dma2 semaphore(%run_scoped3A : memref<!tpu.dma_semaphore, #tpu.memory_space<semaphore_mem>>) src(%arg9 : memref<80x128xf32, #tpu.memory_space<vmem>>) dst(%dma_wait3A_284 : memref<80x128xf32, #tpu.memory_space<hbm>>)
      tpu.yield
    }) : () -> ()
    %barrier3A_276 = arith.constant 0 : index
    tpu.barrier barrier_id(%barrier3A_276)
    return
  }
}

module attributes {stable_mosaic.version = 14 : i64} {
  func.func @_prep_body(%arg0: i32, %arg1: i32, %arg2: memref<1000x128xf32, #tpu.memory_space<vmem>>, %arg3: memref<1000x128xf32, #tpu.memory_space<vmem>>, %arg4: memref<1000x128xf32, #tpu.memory_space<vmem>>) attributes {dimension_semantics = [#tpu.dimension_semantics<arbitrary>, #tpu.dimension_semantics<arbitrary>], iteration_bounds = array<i64: 2, 10>, scalar_prefetch = 0 : i64, scratch_operands = 0 : i64, tpu.core_type = #tpu.core_type<tc>, window_params = [{transform_indices = @transform_0, window_bounds = array<i64: 1000, 128>}, {transform_indices = @transform_1, window_bounds = array<i64: 1000, 128>}, {transform_indices = @transform_2, window_bounds = array<i64: 1000, 128>}]} {
    %get3A = arith.constant 0 : index
    %get3A_0 = arith.constant 0 : index
    %get3A_1 = vector.load %arg2[%get3A, %get3A_0] : memref<1000x128xf32, #tpu.memory_space<vmem>>, vector<1000x128xf32>
    %max3A = arith.constant 0.000000e+00 : f32
    %max3A_2 = vector.broadcast %max3A : f32 to vector<1000x128xf32>
    %max3A_3 = arith.maximumf %get3A_1, %max3A_2 : vector<1000x128xf32>
    %add3A = arith.constant 1.000000e-07 : f32
    %add3A_4 = vector.broadcast %add3A : f32 to vector<1000x128xf32>
    %add3A_5 = arith.addf %max3A_3, %add3A_4 : vector<1000x128xf32>
    %exp3A = math.exp %add3A_5 : vector<1000x128xf32>
    %swap3A = arith.constant 0 : index
    %swap3A_6 = arith.constant 0 : index
    %swap3A_7 = vector.load %arg3[%swap3A, %swap3A_6] : memref<1000x128xf32, #tpu.memory_space<vmem>>, vector<1000x128xf32>
    tpu.vector_store %arg3[%swap3A, %swap3A_6], %exp3A {strides = array<i32>} : memref<1000x128xf32, #tpu.memory_space<vmem>>, vector<1000x128xf32>,
    %mul3A = arith.mulf %exp3A, %add3A_5 : vector<1000x128xf32>
    %swap3A_8 = arith.constant 0 : index
    %swap3A_9 = arith.constant 0 : index
    %swap3A_10 = vector.load %arg4[%swap3A_8, %swap3A_9] : memref<1000x128xf32, #tpu.memory_space<vmem>>, vector<1000x128xf32>
    tpu.vector_store %arg4[%swap3A_8, %swap3A_9], %mul3A {strides = array<i32>} : memref<1000x128xf32, #tpu.memory_space<vmem>>, vector<1000x128xf32>,
    return
  }
  func.func @transform_0(%arg0: i32, %arg1: i32) -> (i32, i32) {
    %c0_i32 = arith.constant 0 : i32
    return %arg1, %arg0 : i32, i32
  }
  func.func @transform_1(%arg0: i32, %arg1: i32) -> (i32, i32) {
    %mul3A = arith.constant 10 : i32
    %mul3A_0 = arith.muli %arg0, %mul3A : i32
    %add3A = arith.addi %mul3A_0, %arg1 : i32
    %c0_i32 = arith.constant 0 : i32
    %c0_i32_1 = arith.constant 0 : i32
    return %add3A, %c0_i32 : i32, i32
  }
  func.func @transform_2(%arg0: i32, %arg1: i32) -> (i32, i32) {
    %mul3A = arith.constant 10 : i32
    %mul3A_0 = arith.muli %arg0, %mul3A : i32
    %add3A = arith.addi %mul3A_0, %arg1 : i32
    %c0_i32 = arith.constant 0 : i32
    %c0_i32_1 = arith.constant 0 : i32
    return %add3A, %c0_i32 : i32, i32
  }
}

module attributes {stable_mosaic.version = 14 : i64} {
  func.func @_mlp_body(%arg0: i32, %arg1: memref<1x1000x128xf32, #tpu.memory_space<vmem>>, %arg2: memref<1x1000x128xf32, #tpu.memory_space<vmem>>, %arg3: memref<1x1000x128xf32, #tpu.memory_space<vmem>>, %arg4: memref<1x1000x128xf32, #tpu.memory_space<vmem>>, %arg5: memref<1000x256xf32, #tpu.memory_space<vmem>>, %arg6: memref<256x512xf32, #tpu.memory_space<vmem>>, %arg7: memref<1x512xf32, #tpu.memory_space<vmem>>, %arg8: memref<1x512xf32, #tpu.memory_space<vmem>>, %arg9: memref<1x512xf32, #tpu.memory_space<vmem>>, %arg10: memref<512x256xf32, #tpu.memory_space<vmem>>, %arg11: memref<1x256xf32, #tpu.memory_space<vmem>>, %arg12: memref<1000x256xf32, #tpu.memory_space<vmem>>) attributes {dimension_semantics = [#tpu.dimension_semantics<arbitrary>], iteration_bounds = array<i64: 10>, scalar_prefetch = 0 : i64, scratch_operands = 0 : i64, tpu.core_type = #tpu.core_type<tc>, window_params = [{transform_indices = @transform_0, window_bounds = array<i64: 1, 1000, 128>}, {transform_indices = @transform_1, window_bounds = array<i64: 1, 1000, 128>}, {transform_indices = @transform_2, window_bounds = array<i64: 1, 1000, 128>}, {transform_indices = @transform_3, window_bounds = array<i64: 1, 1000, 128>}, {transform_indices = @transform_4, window_bounds = array<i64: 1000, 256>}, {pipeline_mode = #tpu.pipeline_mode<synchronous>, transform_indices = @transform_5, window_bounds = array<i64: 256, 512>}, {pipeline_mode = #tpu.pipeline_mode<synchronous>, transform_indices = @transform_6, window_bounds = array<i64: 1, 512>}, {pipeline_mode = #tpu.pipeline_mode<synchronous>, transform_indices = @transform_7, window_bounds = array<i64: 1, 512>}, {pipeline_mode = #tpu.pipeline_mode<synchronous>, transform_indices = @transform_8, window_bounds = array<i64: 1, 512>}, {pipeline_mode = #tpu.pipeline_mode<synchronous>, transform_indices = @transform_9, window_bounds = array<i64: 512, 256>}, {pipeline_mode = #tpu.pipeline_mode<synchronous>, transform_indices = @transform_10, window_bounds = array<i64: 1, 256>}, {transform_indices = @transform_11, window_bounds = array<i64: 1000, 256>}]} {
    %get3A = arith.constant 0 : index
    %get3A_0 = arith.constant 0 : index
    %get3A_1 = arith.constant 0 : index
    %get3A_2 = vector.load %arg1[%get3A, %get3A_0, %get3A_1] : memref<1x1000x128xf32, #tpu.memory_space<vmem>>, vector<1x1000x128xf32>
    %get3A_3 = vector.shape_cast %get3A_2 : vector<1x1000x128xf32> to vector<1000x128xf32>
    %get3A_4 = arith.constant 0 : index
    %get3A_5 = arith.constant 0 : index
    %get3A_6 = arith.constant 0 : index
    %get3A_7 = vector.load %arg2[%get3A_4, %get3A_5, %get3A_6] : memref<1x1000x128xf32, #tpu.memory_space<vmem>>, vector<1x1000x128xf32>
    %get3A_8 = vector.shape_cast %get3A_7 : vector<1x1000x128xf32> to vector<1000x128xf32>
    %concatenate3A = tpu.concatenate %get3A_3, %get3A_8 in 1 : vector<1000x128xf32>, vector<1000x128xf32> -> vector<1000x256xf32>
    %get3A_9 = arith.constant 0 : index
    %get3A_10 = arith.constant 0 : index
    %get3A_11 = arith.constant 0 : index
    %get3A_12 = vector.load %arg3[%get3A_9, %get3A_10, %get3A_11] : memref<1x1000x128xf32, #tpu.memory_space<vmem>>, vector<1x1000x128xf32>
    %get3A_13 = vector.shape_cast %get3A_12 : vector<1x1000x128xf32> to vector<1000x128xf32>
    %get3A_14 = arith.constant 0 : index
    %get3A_15 = arith.constant 0 : index
    %get3A_16 = arith.constant 0 : index
    %get3A_17 = vector.load %arg4[%get3A_14, %get3A_15, %get3A_16] : memref<1x1000x128xf32, #tpu.memory_space<vmem>>, vector<1x1000x128xf32>
    %get3A_18 = vector.shape_cast %get3A_17 : vector<1x1000x128xf32> to vector<1000x128xf32>
    %concatenate3A_19 = tpu.concatenate %get3A_13, %get3A_18 in 1 : vector<1000x128xf32>, vector<1000x128xf32> -> vector<1000x256xf32>
    %add3A = arith.constant 1.000000e-16 : f32
    %add3A_20 = vector.broadcast %add3A : f32 to vector<1000x256xf32>
    %add3A_21 = arith.addf %concatenate3A, %add3A_20 : vector<1000x256xf32>
    %div3A = arith.divf %concatenate3A_19, %add3A_21 : vector<1000x256xf32>
    %get3A_22 = arith.constant 0 : index
    %get3A_23 = arith.constant 0 : index
    %get3A_24 = vector.load %arg5[%get3A_22, %get3A_23] : memref<1000x256xf32, #tpu.memory_space<vmem>>, vector<1000x256xf32>
    %add3A_25 = arith.addf %div3A, %get3A_24 : vector<1000x256xf32>
    %convert_element_type3A = arith.truncf %add3A_25 : vector<1000x256xf32> to vector<1000x256xbf16>
    %get3A_26 = arith.constant 0 : index
    %get3A_27 = arith.constant 0 : index
    %get3A_28 = vector.load %arg6[%get3A_26, %get3A_27] : memref<256x512xf32, #tpu.memory_space<vmem>>, vector<256x512xf32>
    %convert_element_type3A_29 = arith.truncf %get3A_28 : vector<256x512xf32> to vector<256x512xbf16>
    %dot_general3A = arith.constant dense<0.000000e+00> : vector<1000x512xf32>
    %dot_general3A_30 = tpu.matmul %convert_element_type3A, %convert_element_type3A_29, %dot_general3A {dimension_numbers = #tpu.dot_dimension_numbers<[1], [0], [0], [1], [0, 0, 1, 1], [], []>, transpose_lhs_hint = false} : vector<1000x256xbf16>, vector<256x512xbf16>, vector<1000x512xf32> -> vector<1000x512xf32>
    %get3A_31 = arith.constant 0 : index
    %get3A_32 = arith.constant 0 : index
    %get3A_33 = vector.load %arg7[%get3A_31, %get3A_32] : memref<1x512xf32, #tpu.memory_space<vmem>>, vector<1x512xf32>
    %add3A_34 = vector.broadcast %get3A_33 : vector<1x512xf32> to vector<1000x512xf32>
    %add3A_35 = arith.addf %dot_general3A_30, %add3A_34 : vector<1000x512xf32>
    %reduce_sum3A = arith.constant dense<0.000000e+00> : vector<1000xf32>
    %reduce_sum3A_36 = vector.multi_reduction <add>, %add3A_35, %reduce_sum3A [1] : vector<1000x512xf32> to vector<1000xf32>
    %broadcast_in_dim3A = vector.shape_cast %reduce_sum3A_36 : vector<1000xf32> to vector<1000x1xf32>
    %div3A_37 = arith.constant 5.120000e+02 : f32
    %div3A_38 = vector.broadcast %div3A_37 : f32 to vector<1000x1xf32>
    %div3A_39 = arith.divf %broadcast_in_dim3A, %div3A_38 : vector<1000x1xf32>
    %sub3A = vector.broadcast %div3A_39 : vector<1000x1xf32> to vector<1000x512xf32>
    %sub3A_40 = arith.subf %add3A_35, %sub3A : vector<1000x512xf32>
    %integer_pow3A = arith.mulf %sub3A_40, %sub3A_40 : vector<1000x512xf32>
    %reduce_sum3A_41 = arith.constant dense<0.000000e+00> : vector<1000xf32>
    %reduce_sum3A_42 = vector.multi_reduction <add>, %integer_pow3A, %reduce_sum3A_41 [1] : vector<1000x512xf32> to vector<1000xf32>
    %broadcast_in_dim3A_43 = vector.shape_cast %reduce_sum3A_42 : vector<1000xf32> to vector<1000x1xf32>
    %div3A_44 = arith.constant 5.120000e+02 : f32
    %div3A_45 = vector.broadcast %div3A_44 : f32 to vector<1000x1xf32>
    %div3A_46 = arith.divf %broadcast_in_dim3A_43, %div3A_45 : vector<1000x1xf32>
    %sub3A_47 = vector.broadcast %div3A_39 : vector<1000x1xf32> to vector<1000x512xf32>
    %sub3A_48 = arith.subf %add3A_35, %sub3A_47 : vector<1000x512xf32>
    %add3A_49 = arith.constant 9.99999974E-6 : f32
    %add3A_50 = vector.broadcast %add3A_49 : f32 to vector<1000x1xf32>
    %add3A_51 = arith.addf %div3A_46, %add3A_50 : vector<1000x1xf32>
    %sqrt3A = math.sqrt %add3A_51 : vector<1000x1xf32>
    %div3A_52 = vector.broadcast %sqrt3A : vector<1000x1xf32> to vector<1000x512xf32>
    %div3A_53 = arith.divf %sub3A_48, %div3A_52 : vector<1000x512xf32>
    %get3A_54 = arith.constant 0 : index
    %get3A_55 = arith.constant 0 : index
    %get3A_56 = vector.load %arg8[%get3A_54, %get3A_55] : memref<1x512xf32, #tpu.memory_space<vmem>>, vector<1x512xf32>
    %mul3A = vector.broadcast %get3A_56 : vector<1x512xf32> to vector<1000x512xf32>
    %mul3A_57 = arith.mulf %div3A_53, %mul3A : vector<1000x512xf32>
    %get3A_58 = arith.constant 0 : index
    %get3A_59 = arith.constant 0 : index
    %get3A_60 = vector.load %arg9[%get3A_58, %get3A_59] : memref<1x512xf32, #tpu.memory_space<vmem>>, vector<1x512xf32>
    %add3A_61 = vector.broadcast %get3A_60 : vector<1x512xf32> to vector<1000x512xf32>
    %add3A_62 = arith.addf %mul3A_57, %add3A_61 : vector<1000x512xf32>
    %max3A = arith.constant 0.000000e+00 : f32
    %max3A_63 = vector.broadcast %max3A : f32 to vector<1000x512xf32>
    %max3A_64 = arith.maximumf %add3A_62, %max3A_63 : vector<1000x512xf32>
    %convert_element_type3A_65 = arith.truncf %max3A_64 : vector<1000x512xf32> to vector<1000x512xbf16>
    %get3A_66 = arith.constant 0 : index
    %get3A_67 = arith.constant 0 : index
    %get3A_68 = vector.load %arg10[%get3A_66, %get3A_67] : memref<512x256xf32, #tpu.memory_space<vmem>>, vector<512x256xf32>
    %convert_element_type3A_69 = arith.truncf %get3A_68 : vector<512x256xf32> to vector<512x256xbf16>
    %dot_general3A_70 = arith.constant dense<0.000000e+00> : vector<1000x256xf32>
    %dot_general3A_71 = tpu.matmul %convert_element_type3A_65, %convert_element_type3A_69, %dot_general3A_70 {dimension_numbers = #tpu.dot_dimension_numbers<[1], [0], [0], [1], [0, 0, 1, 1], [], []>, transpose_lhs_hint = false} : vector<1000x512xbf16>, vector<512x256xbf16>, vector<1000x256xf32> -> vector<1000x256xf32>
    %get3A_72 = arith.constant 0 : index
    %get3A_73 = arith.constant 0 : index
    %get3A_74 = vector.load %arg11[%get3A_72, %get3A_73] : memref<1x256xf32, #tpu.memory_space<vmem>>, vector<1x256xf32>
    %add3A_75 = vector.broadcast %get3A_74 : vector<1x256xf32> to vector<1000x256xf32>
    %add3A_76 = arith.addf %dot_general3A_71, %add3A_75 : vector<1000x256xf32>
    %swap3A = arith.constant 0 : index
    %swap3A_77 = arith.constant 0 : index
    %swap3A_78 = vector.load %arg12[%swap3A, %swap3A_77] : memref<1000x256xf32, #tpu.memory_space<vmem>>, vector<1000x256xf32>
    tpu.vector_store %arg12[%swap3A, %swap3A_77], %add3A_76 {strides = array<i32>} : memref<1000x256xf32, #tpu.memory_space<vmem>>, vector<1000x256xf32>,
    return
  }
  func.func @transform_0(%arg0: i32) -> (i32, i32, i32) {
    %c0_i32 = arith.constant 0 : i32
    %c0_i32_0 = arith.constant 0 : i32
    %c0_i32_1 = arith.constant 0 : i32
    return %c0_i32, %arg0, %c0_i32_0 : i32, i32, i32
  }
  func.func @transform_1(%arg0: i32) -> (i32, i32, i32) {
    %c1_i32 = arith.constant 1 : i32
    %c0_i32 = arith.constant 0 : i32
    %c0_i32_0 = arith.constant 0 : i32
    return %c1_i32, %arg0, %c0_i32 : i32, i32, i32
  }
  func.func @transform_2(%arg0: i32) -> (i32, i32, i32) {
    %c2_i32 = arith.constant 2 : i32
    %c0_i32 = arith.constant 0 : i32
    %c0_i32_0 = arith.constant 0 : i32
    return %c2_i32, %arg0, %c0_i32 : i32, i32, i32
  }
  func.func @transform_3(%arg0: i32) -> (i32, i32, i32) {
    %c3_i32 = arith.constant 3 : i32
    %c0_i32 = arith.constant 0 : i32
    %c0_i32_0 = arith.constant 0 : i32
    return %c3_i32, %arg0, %c0_i32 : i32, i32, i32
  }
  func.func @transform_4(%arg0: i32) -> (i32, i32) {
    %c0_i32 = arith.constant 0 : i32
    %c0_i32_0 = arith.constant 0 : i32
    return %arg0, %c0_i32 : i32, i32
  }
  func.func @transform_5(%arg0: i32) -> (i32, i32) {
    %c0_i32 = arith.constant 0 : i32
    %c0_i32_0 = arith.constant 0 : i32
    %c0_i32_1 = arith.constant 0 : i32
    return %c0_i32, %c0_i32_0 : i32, i32
  }
  func.func @transform_6(%arg0: i32) -> (i32, i32) {
    %c0_i32 = arith.constant 0 : i32
    %c0_i32_0 = arith.constant 0 : i32
    %c0_i32_1 = arith.constant 0 : i32
    return %c0_i32, %c0_i32_0 : i32, i32
  }
  func.func @transform_7(%arg0: i32) -> (i32, i32) {
    %c0_i32 = arith.constant 0 : i32
    %c0_i32_0 = arith.constant 0 : i32
    %c0_i32_1 = arith.constant 0 : i32
    return %c0_i32, %c0_i32_0 : i32, i32
  }
  func.func @transform_8(%arg0: i32) -> (i32, i32) {
    %c0_i32 = arith.constant 0 : i32
    %c0_i32_0 = arith.constant 0 : i32
    %c0_i32_1 = arith.constant 0 : i32
    return %c0_i32, %c0_i32_0 : i32, i32
  }
  func.func @transform_9(%arg0: i32) -> (i32, i32) {
    %c0_i32 = arith.constant 0 : i32
    %c0_i32_0 = arith.constant 0 : i32
    %c0_i32_1 = arith.constant 0 : i32
    return %c0_i32, %c0_i32_0 : i32, i32
  }
  func.func @transform_10(%arg0: i32) -> (i32, i32) {
    %c0_i32 = arith.constant 0 : i32
    %c0_i32_0 = arith.constant 0 : i32
    %c0_i32_1 = arith.constant 0 : i32
    return %c0_i32, %c0_i32_0 : i32, i32
  }
  func.func @transform_11(%arg0: i32) -> (i32, i32) {
    %c0_i32 = arith.constant 0 : i32
    %c0_i32_0 = arith.constant 0 : i32
    return %arg0, %c0_i32 : i32, i32
  }
}

</mosaic_0001>

<sc_bundles>
// kernel: kernel.5.cloned.1.call-start
scs
__scs_entry_jumppad:
0x0: {  	(pc) =	sbr.rel $0x88, $3  }
0x1: {  	(tag) =	ssettag $0x0;
	lr =	simm.s32 $0x1  }
0x2: {  	[smem:$0x3F99] =	sst lr;
	_ =	strace $0xD0000000  }
0x3: {  	_ = 	snop  }
0x4: {  	_ = 	snop  }
0x5: {  	_ = 	snop  }
0x6: {  	_ = 	snop  }
0x7: {  	_ = 	snop  }
__scs_overlays_trampoline_lowered:
0x8: {  	[smem:$0x3FA8] =	sst s0  }
0x9: {  	[smem:$0x3FA9] =	sst s1  }
0xa: {  	[smem:$0x3FAA] =	sst s2  }
0xb: {  	[smem:$0x3FAB] =	sst s3  }
0xc: {  	[smem:$0x3FAC] =	sst s4  }
0xd: {  	[smem:$0x3FAD] =	sst s5  }
0xe: {  	[smem:$0x3FAE] =	sst s6  }
0xf: {  	[smem:$0x3FAF] =	sst s7  }
0x10: {  	[smem:$0x3FB0] =	sst s8  }
0x11: {  	[smem:$0x3FB1] =	sst s9;
	s0 =	simm.s32 @!p0 $0x0  }
0x12: {  	s1 =	sld [smem:$0x3F97];
	s0 =	simm.s32 @p0 $0x1  }
0x13: {  	[smem:$0x3FB2] =	sst s0;
	s0 =	simm.s32 @!p1 $0x0  }
0x14: {  	s2 =	sld [smem:$0x3F96];
	s0 =	simm.s32 @p1 $0x1  }
0x15: {  	[smem:$0x3FB3] =	sst s0;
	s0 =	simm.s32 @!p2 $0x0  }
0x16: {  	s3 =	sld [smem:$0x3FDB];
	s0 =	simm.s32 @p2 $0x1  }
0x17: {  	s4 =	simm.s32 $0x1BF5;
	[smem:$0x3FB5] =	sst s0  }
0x18: {  	s0 =	sld [smem:$0x3F98];
	_ =	swait.ge [sflag:s4], $0x0  }
0x19: {  	s7 =	sld [smem:$0x3F99]  }
0x1a: {  	s8 =	sadd.s32 $0xFFFFE003, lr  }
0x1b: {  	s9 =	sadd.s32 $0xFFFFFEF7, lr;
	s5 =	simm.s32 $0xFFFFFFFF;
	p2 =	slt.u32 s8, $0xFFFFF086  }
0x1c: {  	p1 =	slt.u32 s9, $0xF7A;
	s5 =	simm.s32 @!p2 $0x0  }
0x1d: {  	s5 =	simm.s32 @p1 $0x1;
	p0 =	seq.s32 s7, s2  }
0x1e: {  	s7 =	smul.u32 @!p0 $0xF7A, s2;
	p2 =	seq.s32 @!p0 s5, $0x0  }
0x1f: {  	s9 =	smul.u32 $0xF7A, s1;
	s8 =	simm.s32 @!p0 $0x1BF5;
	p2 =	por !p2, p0  }
0x20: {  	[sflag:s8] =	ssyncset.s32 @!p0 $0xFFFFF086;
	s6 =	sadd.s32 @!p0 s3, s7;
	s7 =	simm.s32 @!p0 $0x108  }
0x21: {  	s3 =	sadd.s32 s3, s9;
	s6 =	sadd.s32 @!p0 $0x88, s6;
	s7 =	simm.s32 @p2 $0x1082  }
0x22: {  	[simem:s7], [sflag:s8] =	dma.local @!p0 [hbm:s6], $0xF7A  }
0x23: {  	s9 =	sor.u32 $0xD0000000, s2;
	s6 =	simm.s32 $0x108;
	_ =	swait.ge @!p0 [sflag:s8], $0x0  }
0x24: {  	s3 =	sadd.s32 $0x88, s3;
	s6 =	simm.s32 @!p1 $0x1082;
	[sflag:s4] =	ssyncset.s32 $0xFFFFF086  }
0x25: {  	[simem:s6], [sflag:s4] =	dma.local [hbm:s3], $0xF7A  }
0x26: {  	[smem:$0x3F99] =	sst s1;
	(tag) =	ssettag s2;
	_ =	strace s9  }
0x27: {  	s1 =	sld [smem:$0x3FA9]  }
0x28: {  	s2 =	sld [smem:$0x3FAA]  }
0x29: {  	s4 =	sld [smem:$0x3FAC]  }
0x2a: {  	p0 =	seq.s32 s5, $0x0;
	s5 =	sld [smem:$0x3FAD]  }
0x2b: {  	s6 =	sld [smem:$0x3FAE]  }
0x2c: {  	s7 =	sld [smem:$0x3FAF]  }
0x2d: {  	s3 =	simm.s32 $0x108;
	s8 =	sld [smem:$0x3FB0]  }
0x2e: {  	s3 =	simm.s32 @!p0 $0x1082;
	s9 =	sld [smem:$0x3FB1]  }
0x2f: {  	lr =	sadd.s32 s0, s3;
	s0 =	sld [smem:$0x3FA8]  }
0x30: {  	s3 =	sld [smem:$0x3FAB]  }
0x31: {  	[smem:$0x3FB4] =	sst s10  }
0x32: {  	s10 =	sld [smem:$0x3FB2];
	_ =	sdelay $0x3  }
0x33: {  	p0 =	seq.s32 s10, $0x1;
	s10 =	sld [smem:$0x3FB4];
	_ =	sdelay $0x3  }
0x34: {  	[smem:$0x3FB4] =	sst s10  }
0x35: {  	s10 =	sld [smem:$0x3FB3];
	_ =	sdelay $0x3  }
0x36: {  	p1 =	seq.s32 s10, $0x1;
	s10 =	sld [smem:$0x3FB4];
	_ =	sdelay $0x3  }
0x37: {  	[smem:$0x3FB4] =	sst s10  }
0x38: {  	s10 =	sld [smem:$0x3FB5]  }
0x39: {  	_ = 	snop;
	(pc) =	sbr.ind lr, $3  }
0x3a: {  	_ = 	snop  }
0x3b: {  	_ = 	snop  }
0x3c: {  	p2 =	seq.s32 s10, $0x1;
	s10 =	sld [smem:$0x3FB4]  }
0x3d: {  	_ =	shalt  }
0x3e: {  	_ =	shalt  }
0x3f: {  	_ =	shalt  }
0x40: {  	_ =	shalt  }
0x41: {  	_ =	shalt  }
0x42: {  	_ =	shalt  }
0x43: {  	_ =	shalt  }
0x44: {  	_ =	shalt  }
0x45: {  	_ =	shalt  }
0x46: {  	_ =	shalt  }
0x47: {  	_ =	shalt  }
0x48: {  	_ =	shalt  }
0x49: {  	_ =	shalt  }
0x4a: {  	_ =	shalt  }
0x4b: {  	_ =	shalt  }
0x4c: {  	_ =	shalt  }
0x4d: {  	_ =	shalt  }
0x4e: {  	_ =	shalt  }
0x4f: {  	_ =	shalt  }
0x50: {  	_ =	shalt  }
0x51: {  	_ =	shalt  }
0x52: {  	_ =	shalt  }
0x53: {  	_ =	shalt  }
0x54: {  	_ =	shalt  }
0x55: {  	_ =	shalt  }
0x56: {  	_ =	shalt  }
0x57: {  	_ =	shalt  }
0x58: {  	_ =	shalt  }
0x59: {  	_ =	shalt  }
0x5a: {  	_ =	shalt  }
0x5b: {  	_ =	shalt  }
0x5c: {  	_ =	shalt  }
0x5d: {  	_ =	shalt  }
0x5e: {  	_ =	shalt  }
0x5f: {  	_ =	shalt  }
0x60: {  	_ =	shalt  }
0x61: {  	_ =	shalt  }
0x62: {  	_ =	shalt  }
0x63: {  	_ =	shalt  }
0x64: {  	_ =	shalt  }
0x65: {  	_ =	shalt  }
0x66: {  	_ =	shalt  }
0x67: {  	_ =	shalt  }
0x68: {  	_ =	shalt  }
0x69: {  	_ =	shalt  }
0x6a: {  	_ =	shalt  }
0x6b: {  	_ =	shalt  }
0x6c: {  	_ =	shalt  }
0x6d: {  	_ =	shalt  }
0x6e: {  	_ =	shalt  }
0x6f: {  	_ =	shalt  }
0x70: {  	_ =	shalt  }
0x71: {  	_ =	shalt  }
0x72: {  	_ =	shalt  }
0x73: {  	_ =	shalt  }
0x74: {  	_ =	shalt  }
0x75: {  	_ =	shalt  }
0x76: {  	_ =	shalt  }
0x77: {  	_ =	shalt  }
0x78: {  	_ =	shalt  }
0x79: {  	_ =	shalt  }
0x7a: {  	_ =	shalt  }
0x7b: {  	_ =	shalt  }
0x7c: {  	_ =	shalt  }
0x7d: {  	_ =	shalt  }
0x7e: {  	_ =	shalt  }
0x7f: {  	_ =	shalt  }
0x80: {  	_ =	shalt  }
0x81: {  	_ =	shalt  }
0x82: {  	_ =	shalt  }
0x83: {  	_ =	shalt  }
0x84: {  	_ =	shalt  }
0x85: {  	_ =	shalt  }
0x86: {  	_ =	shalt  }
0x87: {  	_ =	shalt  }
.Lfunc_end0:
.L_simem_size_0:
called_computation_lowered:
.L_overlay_start_0:
0x88: {  	s2 =	sld [smem:$0x3FD9]  }
0x89: {  	s3 =	sld [smem:$0x3FFE];
	_ =	sdelay $0x1  }
0x8a: {  	s1 =	srdreg.scid  }
0x8b: {  	s0 =	sand.u32 $0x1, s1  }
0x8c: {  	s17 =	sshll.u32 s0, $0xA;
	s2 =	sadd.s32 s3, s2  }
0x8d: {  	s2 =	sadd.s32 s2, s17  }
0x8e: {  	[smem:$0x3FC0] =	sst s2  }
0x8f: {  	_ = 	snop  }
0x90: {  	s2 =	sld [smem:$0x3FD0];
	(tm) =	ssettm $0x1  }
0x91: {  	s18 =	sld [smem:$0x3FFB];
	_ =	sdelay $0x3  }
0x92: {  	_ =	strace s18  }
0x93: {  	s3 =	sld [smem:$0x3FFC];
	_ =	sdelay $0x3  }
0x94: {  	_ =	strace s3  }
0x95: {  	s3 =	sld [smem:$0x3FFD];
	_ =	sdelay $0x3  }
0x96: {  	_ =	strace s3  }
0x97: {  	_ =	strace $0x8FFFFFFF  }
0x98: {  	s19 =	sld [smem:$0x3FDB];
	_ =	sdelay $0x1  }
0x99: {  	s4 =	simm.s32 $_scs_section_size  }
0x9a: {  	s5 =	simm.s32 $_size__tile_overlayer_lowered;
	s6 =	simm.s32 $_tile_overlayer_lowered  }
0x9b: {  	s22 =	simm.s32 $0x1BFF;
	s21 =	sshll.u32 s6, $0x1;
	s3 =	sadd.s32 s4, s19  }
0x9c: {  	s7 =	simm.s32 $0x0;
	s20 =	sshll.u32 s5, $0x1;
	s5 =	sadd.s32 s21, s3  }
0x9d: {  	[timem:s7], [sflag:s22] =	dma.local [hbm:s5], s20  }
0x9e: {  	_ =	swait.ge [sflag:s22], s20  }
0x9f: {  	s4 =	ssub.s32 $0x0, s20;
	[sflag:s22] =	ssyncset.done $0x0  }
0xa0: {  	[sflag:s22] =	ssyncadd.s32 s4;
	_ =	sdelay $0x1  }
0xa1: {  	s23 =	simm.s32 $0x1B8B  }
0xa2: {  	_ =	swait.ge [sflag:s23], $0x1  }
0xa3: {  	[sflag:s23] =	ssyncset.done $0x0  }
0xa4: {  	s25 =	simm.s32 $0x1B8E;
	s24 =	sld [smem:$0x3FFE];
	[sflag:s23] =	ssyncadd.s32 $0xFFFFFFFF  }
0xa5: {  	s26 =	simm.s32 $execute0_lowered;
	[smem:$0x3FD2] =	sst s25  }
0xa6: {  	s5 =	sshll.u32 s26, $0x1;
	_ =	strace $0x80000046;
	[dreg:$0x1] =	wrdreg $0xFFFFFFFF  }
0xa7: {  	s28 =	simm.s32 $_size_execute0_lowered;
	s3 =	sadd.s32 s3, s5;
	[dreg:$0x0] =	wrdreg $0x0  }
0xa8: {  	s5 =	sshll.u32 s28, $0x1;
	[dreg:$0x2] =	wrdreg s3  }
0xa9: {  	[dreg:$0x3] =	wrdreg s5  }
0xaa: {  	[dreg:$0x4] =	wrdreg $0xC0  }
0xab: {  	_ =	task [dreg:s7], $0x5FFFF  }
0xac: {  	[dreg:$0x1] =	wrdreg $0xFFFFFFFF  }
0xad: {  	[dreg:$0x0] =	wrdreg $0x60  }
0xae: {  	[dreg:$0x2] =	wrdreg s24  }
0xaf: {  	[dreg:$0x3] =	wrdreg s2  }
0xb0: {  	[dreg:$0x4] =	wrdreg $0xA1000  }
0xb1: {  	[dreg:$0x5] =	wrdreg $0x9  }
0xb2: {  	_ =	task.clear_ibuf [dreg:s7], $0x6FFFF;
	_ =	strace $0x90000046  }
0xb3: {  	s29 =	simm.s32 $0x9;
	_ =	strace $0x80000048  }
0xb4: {  	_ =	swait.ge [sflag:s29], $0x1  }
0xb5: {  	[sflag:s29] =	ssyncadd.s32 $0xFFFFFFFF  }
0xb6: {  	_ =	strace $0x90000048  }
0xb7: {  	_ =	sfence  }
0xb8: {  	s30 =	sld [smem:$0x0];
	_ =	sdelay $0x2  }
0xb9: {  	s31 =	sshll.u32 s1, $0xD;
	s1 =	sshrl.u32 s1, $0x2  }
0xba: {  	s3 =	sand.u32 $0x4000, s31;
	s1 =	sadd.s32 s1, s30  }
0xbb: {  	s0 =	sor.u32 s3, s0;
	s1 =	sshll.u32 s1, $0x11  }
0xbc: {  	s0 =	sor.u32 s1, s0  }
0xbd: {  	s0 =	sadd.s32 $0x8F2B, s0  }
0xbe: {  	[sflag:s0] =	ssyncadd.remote.s32 $0x1  }
0xbf: {  	_ =	sfence.sel $0xFFFF  }
0xc0: {  	[dreg:$0x0] =	wrdreg $0xFFFFFFFF;
	(pc) =	sbr.abs _section_cstart, $3  }
0xc1: {  	[dreg:$0x1] =	wrdreg $0xFFFFFFFF  }
0xc2: {  	_ =	task.clear_ibuf [dreg:s7], $0x2FFFF;
	_ =	strace $0x9FFFFFFF  }
0xc3: {  	(tm) =	ssettm $0x7FFFFFFF  }
tec
execute0_lowered:
.L_overlay_start_1:
0x0: {  	(tag) =	ssettag $0x1  }
0x1: {  	s0 =	srdreg.scid;
	s17 =	stileid.u32  }
0x2: {  	s0 =	sand.u32 $0x1, s0;
	s10 =	smul.u32 $0x280, s17  }
0x3: {  	s5 =	rddreg [dreg:$0x0];
	s1 =	ssub.s32 $0x2, s0;
	s9 =	smul.u32 $0x27100, s0  }
0x4: {  	s11 =	sadd.s32 $0x5F000, s5;
	s12 =	smul.u32 $0x2800, s0;
	s2 =	sshrl.u32 s1, $0x1  }
0x5: {  	s8 =	sor.u32 $0x50, s10;
	s6 =	sadd.s32 $0xA0, s10;
	s7 =	sadd.s32 $0xF0, s10  }
0x6: {  	s4 =	sadd.s32 $0x140, s10;
	s0 =	sadd.s32 $0x190, s10;
	s3 =	sadd.s32 $0x1E0, s10  }
0x7: {  	s2 =	ssub.s32 s1, s2;
	s1 =	sadd.s32 $0x230, s10;
	s13 =	sadd.s32 s10, s12  }
0x8: {  	s14 =	sadd.s32 s12, s8;
	s15 =	sadd.s32 s12, s6;
	s22 =	sadd.s32 s12, s7  }
0x9: {  	s23 =	sadd.s32 s12, s4;
	s24 =	sadd.s32 s12, s0;
	s28 =	sadd.s32 s12, s3  }
0xa: {  	s13 =	sshll.u32 s13, $0x4;
	s14 =	sshll.u32 s14, $0x4;
	s21 =	sshll.u32 s15, $0x4  }
0xb: {  	s26 =	sshll.u32 s24, $0x4;
	s29 =	sadd.s32 s12, s1;
	s12 =	sadd.s32 $0x5000, s12  }
0xc: {  	s2 =	smax.u32 s2, $0x1;
	s13 =	sadd.s32 s11, s13;
	s20 =	sadd.s32 s11, s14  }
0xd: {  	s14 =	sshll.u32 s23, $0x4;
	s10 =	sadd.s32 s10, s12;
	s15 =	sadd.s32 s8, s12  }
0xe: {  	s16 =	sadd.s32 s6, s12;
	s23 =	sadd.s32 s0, s12;
	[dreg:$0x4] =	wrdreg s13  }
0xf: {  	s0 =	sshll.u32 s0, $0x7;
	[dreg:$0x5] =	wrdreg s20;
	s13 =	sadd.s32 s11, s21  }
0x10: {  	s25 =	sadd.s32 s11, s14;
	s14 =	sshll.u32 s29, $0x4;
	s10 =	sshll.u32 s10, $0x4  }
0x11: {  	s18 =	sshll.u32 s15, $0x4;
	s19 =	sshll.u32 s16, $0x4;
	s21 =	sadd.s32 s7, s12  }
0x12: {  	s29 =	smul.u32 $0x2710, s17;
	s16 =	simm.s32 $0x0;
	[dreg:$0x6] =	wrdreg s13  }
0x13: {  	s15 =	sadd.s32 $0x1A00, s5;
	s13 =	sshll.u32 s22, $0x4;
	[dreg:$0x8] =	wrdreg s25  }
0x14: {  	s14 =	sadd.s32 s11, s14;
	s10 =	sadd.s32 s11, s10;
	[smem:$0x7FF] =	sst s16  }
0x15: {  	s20 =	sadd.s32 s11, s19;
	s22 =	sadd.s32 s4, s12;
	s19 =	rddreg [dreg:$0x1]  }
0x16: {  	s25 =	sshll.u32 s23, $0x4;
	s23 =	sadd.s32 $0x10800, s5;
	[dreg:$0xb] =	wrdreg s14  }
0x17: {  	s4 =	sshll.u32 s4, $0x7;
	s13 =	sadd.s32 s11, s13;
	[dreg:$0xc] =	wrdreg s10  }
0x18: {  	s10 =	sadd.s32 s11, s18;
	[dreg:$0xe] =	wrdreg s20;
	s24 =	sshll.u32 s22, $0x4  }
0x19: {  	s9 =	sadd.s32 s29, s9;
	s14 =	sshrl.u32 s29, $0x3;
	s20 =	rddreg [dreg:$0x2]  }
0x1a: {  	s18 =	smul.u32 $0x4E2, s17;
	[dreg:$0x7] =	wrdreg s13;
	s13 =	sadd.s32 s11, s26  }
0x1b: {  	[dreg:$0xd] =	wrdreg s10;
	s10 =	sshll.u32 s21, $0x4;
	s26 =	sadd.s32 s11, s25  }
0x1c: {  	s9 =	sshrl.u32 s9, $0x3;
	s21 =	smul.u32 $0x50000, s17;
	s25 =	sshll.u32 s8, $0x7  }
0x1d: {  	s31 =	sadd.s32 s4, s20;
	s4 =	simm.s32 $0x7;
	s8 =	simm.s32 $0xA000  }
0x1e: {  	s17 =	simm.s32 $0x6;
	[dreg:$0x9] =	wrdreg s13;
	s13 =	sshll.u32 s28, $0x4  }
0x1f: {  	s10 =	sadd.s32 s11, s10;
	[dreg:$0x11] =	wrdreg s26;
	s28 =	sadd.s32 s3, s12  }
0x20: {  	s12 =	sadd.s32 s1, s12;
	s22 =	sadd.s32 s18, s15;
	s9 =	sadd.s32 s9, s5  }
0x21: {  	s5 =	sadd.s32 $0x5EA00, s5;
	s26 =	sshll.u32 s6, $0x7;
	s3 =	sshll.u32 s3, $0x7  }
0x22: {  	s18 =	sadd.s32 s0, s20;
	s1 =	sshll.u32 s1, $0x7;
	s6 =	simm.s32 $0x9F80  }
0x23: {  	s13 =	sadd.s32 s11, s13;
	[dreg:$0xf] =	wrdreg s10;
	s10 =	sadd.s32 s11, s24  }
0x24: {  	s12 =	sshll.u32 s12, $0x4;
	s24 =	sshrl.u32 s21, $0x2;
	s9 =	sadd.s32 $0x6A00, s9  }
0x25: {  	s26 =	sadd.s32 s26, s20;
	[dreg:$0x10] =	wrdreg s10;
	s10 =	sshll.u32 s28, $0x4  }
0x26: {  	s0 =	sadd.s32 s3, s20;
	[dreg:$0xa] =	wrdreg s13;
	s10 =	sadd.s32 s11, s10  }
0x27: {  	s1 =	sadd.s32 s1, s20;
	[dreg:$0x12] =	wrdreg s10;
	s10 =	sadd.s32 s11, s12  }
0x28: {  	s13 =	sadd.s32 s15, s14;
	s21 =	sadd.s32 s24, s20;
	[dreg:$0x13] =	wrdreg s10  }
0x29: {  	s24 =	sadd.s32 s25, s20;
	_ =	strace $0x80000047;
	[dreg:$0x15] =	wrdreg s5  }
0x2a: {  	s28 =	sshll.u32 s7, $0x7;
	s7 =	simm.s32 $0x50;
	[dreg:$0x16] =	wrdreg s9  }
0x2b: {  	s14 =	simm.s32 $0x5;
	s15 =	simm.s32 $0x2;
	[dreg:$0x1a] =	wrdreg s2  }
0x2c: {  	s25 =	simm.s32 $0x3;
	s29 =	sadd.s32 $0xA, s13;
	[dreg:$0x14] =	wrdreg s13  }
0x2d: {  	s30 =	sadd.s32 s28, s20;
	s11 =	simm.s32 $0x7780;
	[dreg:$0x1b] =	wrdreg s29  }
0x2e: {  	s12 =	simm.s32 $0x4;
	s10 =	simm.s32 $0xA080;
	[dreg:$0x17] =	wrdreg s21  }
0x2f: {  	s5 =	simm.s32 $0x2780;
	s9 =	simm.s32 $0x4F80;
	[dreg:$0x18] =	wrdreg s24  }
0x30: {  	s13 =	simm.s32 $0x1;
	s2 =	simm.s32 $0x0;
	[dreg:$0x19] =	wrdreg s26  }
.LBB2_1:
0x31: {  	s3 =	rddreg [dreg:$0x16]  }
0x32: {  	[tilespmem:s16], [sflag:$0x7] =	stream.linear.gather [hbm4b:s3+s16], $0x2710, $0x38;
	[tilespmem:$0x1E100] =	vst v63  }
0x33: {  	_ =	swait.ge [sflag:s4], $0x2710  }
0x34: {  	[sflag:s4] =	ssyncset.done $0x0  }
0x35: {  	s29 =	rddreg [dreg:$0x15];
	[sflag:s4] =	ssyncadd.s32 $0xFFFFD8F0  }
0x36: {  	[tilespmem:s5], [sflag:$0x7] =	stream.linear.gather [hbm4b:s29+s16], $0x2800, $0x38;
	[tilespmem:$0x1E100] =	vst v63  }
0x37: {  	_ =	swait.ge [sflag:s4], $0x2800  }
0x38: {  	[sflag:s4] =	ssyncset.done $0x0  }
0x39: {  	[sflag:s4] =	ssyncadd.s32 $0xFFFFD800  }
0x3a: {  	[spmem:s21] =	stream.linear.scatter [tilespmem:s5], [sflag:$0x7], $0x2800, $0x38;
	[tilespmem:$0x1E100] =	vst v63  }
0x3b: {  	_ =	swait.ge [sflag:s4], $0x2800  }
0x3c: {  	[sflag:s4] =	ssyncset.done $0x0  }
0x3d: {  	[sflag:s4] =	ssyncadd.s32 $0xFFFFD800  }
0x3e: {  	[spmem:s24] =	stream.linear.scatter [tilespmem:s5], [sflag:$0x7], $0x2800, $0x38;
	[tilespmem:$0x1E100] =	vst v63  }
0x3f: {  	_ =	swait.ge [sflag:s4], $0x2800  }
0x40: {  	[sflag:s4] =	ssyncset.done $0x0  }
0x41: {  	[sflag:s4] =	ssyncadd.s32 $0xFFFFD800  }
0x42: {  	[spmem:s26] =	stream.linear.scatter [tilespmem:s5], [sflag:$0x7], $0x2800, $0x38;
	[tilespmem:$0x1E100] =	vst v63  }
0x43: {  	_ =	swait.ge [sflag:s4], $0x2800  }
0x44: {  	[sflag:s4] =	ssyncset.done $0x0  }
0x45: {  	[sflag:s4] =	ssyncadd.s32 $0xFFFFD800  }
0x46: {  	[spmem:s30] =	stream.linear.scatter [tilespmem:s5], [sflag:$0x7], $0x2800, $0x38;
	[tilespmem:$0x1E100] =	vst v63  }
0x47: {  	_ =	swait.ge [sflag:s4], $0x2800  }
0x48: {  	[sflag:s4] =	ssyncset.done $0x0  }
0x49: {  	[sflag:s4] =	ssyncadd.s32 $0xFFFFD800  }
0x4a: {  	[spmem:s31] =	stream.linear.scatter [tilespmem:s5], [sflag:$0x7], $0x2800, $0x38;
	[tilespmem:$0x1E100] =	vst v63  }
0x4b: {  	_ =	swait.ge [sflag:s4], $0x2800  }
0x4c: {  	[sflag:s4] =	ssyncset.done $0x0  }
0x4d: {  	[sflag:s4] =	ssyncadd.s32 $0xFFFFD800  }
0x4e: {  	[spmem:s18] =	stream.linear.scatter [tilespmem:s5], [sflag:$0x7], $0x2800, $0x38;
	[tilespmem:$0x1E100] =	vst v63  }
0x4f: {  	_ =	swait.ge [sflag:s4], $0x2800  }
0x50: {  	[sflag:s4] =	ssyncset.done $0x0  }
0x51: {  	[sflag:s4] =	ssyncadd.s32 $0xFFFFD800  }
0x52: {  	[spmem:s0] =	stream.linear.scatter [tilespmem:s5], [sflag:$0x7], $0x2800, $0x38;
	[tilespmem:$0x1E100] =	vst v63  }
0x53: {  	_ =	swait.ge [sflag:s4], $0x2800  }
0x54: {  	[sflag:s4] =	ssyncset.done $0x0  }
0x55: {  	[sflag:s4] =	ssyncadd.s32 $0xFFFFD800  }
0x56: {  	[spmem:s1] =	stream.linear.scatter [tilespmem:s5], [sflag:$0x7], $0x2800, $0x38;
	[tilespmem:$0x1E100] =	vst v63  }
0x57: {  	_ =	swait.ge [sflag:s4], $0x2800  }
0x58: {  	[sflag:s4] =	ssyncset.done $0x0  }
0x59: {  	[sflag:s4] =	ssyncadd.s32 $0xFFFFD800  }
0x5a: {  	[bflag:$0x0] =	sbarrier.arrive $0xFFFF  }
0x5b: {  	s26 =	rddreg [dreg:$0x14]  }
0x5c: {  	[tilespmem:s6], [sflag:$0x4] =	stream.linear.gather [hbm4b:s26+s16], $0x50, $0x38;
	[tilespmem:$0x1E100] =	vst v63  }
0x5d: {  	_ = 	snop  }
0x5e: {  	[tilespmem:s5], [sflag:$0x1] =	stream.indirect.gather [hbm4b:s19+s7], $0x80, s16, s7, $0xb8;
	[tilespmem:$0x1E100] =	vst v63  }
0x5f: {  	s28 =	rddreg [dreg:$0x1b]  }
0x60: {  	[tilespmem:s8], [sflag:$0x5] =	stream.linear.gather [hbm4b:s28+s16], $0x50, $0x38;
	[tilespmem:$0x1E100] =	vst v63  }
0x61: {  	s3 =	sadd.s32 $0x0, s22  }
0x62: {  	[tilespmem:s9], [sflag:$0x2] =	stream.indirect.gather [hbm4b:s19+s7], $0x80, s7, s7, $0xb8;
	[tilespmem:$0x1E100] =	vst v63  }
0x63: {  	s29 =	sadd.s32 $0x14, s3  }
0x64: {  	[tilespmem:s10], [sflag:$0x6] =	stream.linear.gather [hbm4b:s29+s16], $0x50, $0x38;
	[tilespmem:$0x1E100] =	vst v63  }
0x65: {  	s24 =	simm.s32 $0xA0  }
0x66: {  	[tilespmem:s11], [sflag:$0x3] =	stream.indirect.gather [hbm4b:s19+s7], $0x80, s24, s7, $0xb8;
	[tilespmem:$0x1E100] =	vst v63  }
0x67: {  	_ =	swait.ge [sflag:s12], $0x50  }
0x68: {  	[sflag:s12] =	ssyncset.done $0x0  }
0x69: {  	[sflag:s12] =	ssyncadd.s32 $0xFFFFFFB0  }
0x6a: {  	_ =	swait.ge [sflag:s13], $0x2800  }
0x6b: {  	[sflag:s13] =	ssyncset.done $0x0  }
0x6c: {  	[sflag:s13] =	ssyncadd.s32 $0xFFFFD800  }
0x6d: {  	[spmem:s20] =	stream.indirect.scatter.add.f32 [tilespmem:s5], [sflag:$0x7], $0x80, s6, s7, $0xb8;
	[tilespmem:$0x1E100] =	vst v63  }
0x6e: {  	_ =	swait.ge [sflag:s4], $0x2800  }
0x6f: {  	[sflag:s4] =	ssyncset.done $0x0  }
0x70: {  	s26 =	sadd.s32 $0x1E, s3;
	[sflag:s4] =	ssyncadd.s32 $0xFFFFD800  }
0x71: {  	[tilespmem:s6], [sflag:$0x4] =	stream.linear.gather [hbm4b:s26+s16], $0x50, $0x38;
	[tilespmem:$0x1E100] =	vst v63  }
0x72: {  	s28 =	simm.s32 $0xF0  }
0x73: {  	[tilespmem:s5], [sflag:$0x1] =	stream.indirect.gather [hbm4b:s19+s7], $0x80, s28, s7, $0xb8;
	[tilespmem:$0x1E100] =	vst v63  }
0x74: {  	_ =	swait.ge [sflag:s14], $0x50  }
0x75: {  	[sflag:s14] =	ssyncset.done $0x0  }
0x76: {  	[sflag:s14] =	ssyncadd.s32 $0xFFFFFFB0  }
0x77: {  	_ =	swait.ge [sflag:s15], $0x2800  }
0x78: {  	[sflag:s15] =	ssyncset.done $0x0  }
0x79: {  	[sflag:s15] =	ssyncadd.s32 $0xFFFFD800  }
0x7a: {  	[spmem:s20] =	stream.indirect.scatter.add.f32 [tilespmem:s9], [sflag:$0x7], $0x80, s8, s7, $0xb8;
	[tilespmem:$0x1E100] =	vst v63  }
0x7b: {  	_ =	swait.ge [sflag:s4], $0x2800  }
0x7c: {  	[sflag:s4] =	ssyncset.done $0x0  }
0x7d: {  	s3 =	sadd.s32 $0x28, s3;
	[sflag:s4] =	ssyncadd.s32 $0xFFFFD800  }
0x7e: {  	[tilespmem:s8], [sflag:$0x5] =	stream.linear.gather [hbm4b:s3+s16], $0x50, $0x38;
	[tilespmem:$0x1E100] =	vst v63  }
0x7f: {  	s29 =	simm.s32 $0x140  }
0x80: {  	[tilespmem:s9], [sflag:$0x2] =	stream.indirect.gather [hbm4b:s19+s7], $0x80, s29, s7, $0xb8;
	[tilespmem:$0x1E100] =	vst v63  }
0x81: {  	_ =	swait.ge [sflag:s17], $0x50  }
0x82: {  	[sflag:s17] =	ssyncset.done $0x0  }
0x83: {  	[sflag:s17] =	ssyncadd.s32 $0xFFFFFFB0  }
0x84: {  	_ =	swait.ge [sflag:s25], $0x2800  }
0x85: {  	[sflag:s25] =	ssyncset.done $0x0  }
0x86: {  	[sflag:s25] =	ssyncadd.s32 $0xFFFFD800  }
0x87: {  	[spmem:s20] =	stream.indirect.scatter.add.f32 [tilespmem:s11], [sflag:$0x7], $0x80, s10, s7, $0xb8;
	[tilespmem:$0x1E100] =	vst v63  }
0x88: {  	s21 =	sadd.s32 $0x1E, s22;
	_ =	swait.ge [sflag:s4], $0x2800  }
0x89: {  	s24 =	simm.s32 $0x230;
	s3 =	simm.s32 $0x3C;
	[sflag:s4] =	ssyncset.done $0x0  }
.LBB2_2:
0x8a: {  	s29 =	sadd.s32 $0x14, s21  }
0x8b: {  	[sflag:s4] =	ssyncadd.s32 $0xFFFFD800;
	s26 =	smov.u32 s3;
	s28 =	sadd.s32 $0x1E, s3  }
0x8c: {  	[tilespmem:s10], [sflag:$0x6] =	stream.linear.gather [hbm4b:s29+s16], $0x50, $0x38;
	[tilespmem:$0x1E100] =	vst v63  }
0x8d: {  	p0 =	sne.s32 s3, $0x4B0;
	s3 =	sadd.s32 $0xFFFFFF60, s24  }
0x8e: {  	[tilespmem:s11], [sflag:$0x3] =	stream.indirect.gather [hbm4b:s19+s7], $0x80, s3, s7, $0xb8;
	[tilespmem:$0x1E100] =	vst v63  }
0x8f: {  	_ =	swait.ge [sflag:s12], $0x50  }
0x90: {  	[sflag:s12] =	ssyncset.done $0x0  }
0x91: {  	[sflag:s12] =	ssyncadd.s32 $0xFFFFFFB0  }
0x92: {  	_ =	swait.ge [sflag:s13], $0x2800  }
0x93: {  	[sflag:s13] =	ssyncset.done $0x0  }
0x94: {  	[sflag:s13] =	ssyncadd.s32 $0xFFFFD800  }
0x95: {  	[spmem:s20] =	stream.indirect.scatter.add.f32 [tilespmem:s5], [sflag:$0x7], $0x80, s6, s7, $0xb8;
	[tilespmem:$0x1E100] =	vst v63  }
0x96: {  	_ =	swait.ge [sflag:s4], $0x2800  }
0x97: {  	[sflag:s4] =	ssyncset.done $0x0  }
0x98: {  	s3 =	sadd.s32 $0x1E, s21;
	[sflag:s4] =	ssyncadd.s32 $0xFFFFD800  }
0x99: {  	[tilespmem:s6], [sflag:$0x4] =	stream.linear.gather [hbm4b:s3+s16], $0x50, $0x38;
	[tilespmem:$0x1E100] =	vst v63  }
0x9a: {  	s3 =	sadd.s32 $0xFFFFFFB0, s24  }
0x9b: {  	[tilespmem:s5], [sflag:$0x1] =	stream.indirect.gather [hbm4b:s19+s7], $0x80, s3, s7, $0xb8;
	[tilespmem:$0x1E100] =	vst v63  }
0x9c: {  	_ =	swait.ge [sflag:s14], $0x50  }
0x9d: {  	[sflag:s14] =	ssyncset.done $0x0  }
0x9e: {  	[sflag:s14] =	ssyncadd.s32 $0xFFFFFFB0  }
0x9f: {  	_ =	swait.ge [sflag:s15], $0x2800  }
0xa0: {  	[sflag:s15] =	ssyncset.done $0x0  }
0xa1: {  	[sflag:s15] =	ssyncadd.s32 $0xFFFFD800  }
0xa2: {  	[spmem:s20] =	stream.indirect.scatter.add.f32 [tilespmem:s9], [sflag:$0x7], $0x80, s8, s7, $0xb8;
	[tilespmem:$0x1E100] =	vst v63  }
0xa3: {  	_ =	swait.ge [sflag:s4], $0x2800  }
0xa4: {  	[sflag:s4] =	ssyncset.done $0x0  }
0xa5: {  	s3 =	sadd.s32 $0x28, s21;
	[sflag:s4] =	ssyncadd.s32 $0xFFFFD800  }
0xa6: {  	[tilespmem:s8], [sflag:$0x5] =	stream.linear.gather [hbm4b:s3+s16], $0x50, $0x38;
	[tilespmem:$0x1E100] =	vst v63  }
0xa7: {  	_ = 	snop  }
0xa8: {  	[tilespmem:s9], [sflag:$0x2] =	stream.indirect.gather [hbm4b:s19+s7], $0x80, s24, s7, $0xb8;
	[tilespmem:$0x1E100] =	vst v63  }
0xa9: {  	_ =	swait.ge [sflag:s17], $0x50  }
0xaa: {  	[sflag:s17] =	ssyncset.done $0x0  }
0xab: {  	[sflag:s17] =	ssyncadd.s32 $0xFFFFFFB0  }
0xac: {  	_ =	swait.ge [sflag:s25], $0x2800  }
.Ltmp0:
0xad: {  	[sflag:s25] =	ssyncset.done $0x0;
	(pc) =	sbr.rel @p0 .LBB2_2-.Ltmp0, $4  }
0xae: {  	[sflag:s25] =	ssyncadd.s32 $0xFFFFD800  }
0xaf: {  	[spmem:s20] =	stream.indirect.scatter.add.f32 [tilespmem:s11], [sflag:$0x7], $0x80, s10, s7, $0xb8;
	[tilespmem:$0x1E100] =	vst v63  }
0xb0: {  	s21 =	sadd.s32 s26, s22;
	_ =	swait.ge [sflag:s4], $0x2800  }
0xb1: {  	s3 =	smov.u32 s28;
	s24 =	sadd.s32 $0xF0, s24;
	[sflag:s4] =	ssyncset.done $0x0  }
0xb2: {  	s3 =	sadd.s32 $0x14, s21;
	[sflag:s4] =	ssyncadd.s32 $0xFFFFD800  }
0xb3: {  	[tilespmem:s10], [sflag:$0x6] =	stream.linear.gather [hbm4b:s3+s16], $0x50, $0x38;
	[tilespmem:$0x1E100] =	vst v63  }
0xb4: {  	s29 =	sadd.s32 $0xFFFFFF60, s24  }
0xb5: {  	[tilespmem:s11], [sflag:$0x3] =	stream.indirect.gather [hbm4b:s19+s7], $0x80, s29, s7, $0xb8;
	[tilespmem:$0x1E100] =	vst v63  }
0xb6: {  	_ =	swait.ge [sflag:s12], $0x50  }
0xb7: {  	[sflag:s12] =	ssyncset.done $0x0  }
0xb8: {  	[sflag:s12] =	ssyncadd.s32 $0xFFFFFFB0  }
0xb9: {  	_ =	swait.ge [sflag:s13], $0x2800  }
0xba: {  	[sflag:s13] =	ssyncset.done $0x0  }
0xbb: {  	[sflag:s13] =	ssyncadd.s32 $0xFFFFD800  }
0xbc: {  	[spmem:s20] =	stream.indirect.scatter.add.f32 [tilespmem:s5], [sflag:$0x7], $0x80, s6, s7, $0xb8;
	[tilespmem:$0x1E100] =	vst v63  }
0xbd: {  	_ =	swait.ge [sflag:s4], $0x2800  }
0xbe: {  	[sflag:s4] =	ssyncset.done $0x0  }
0xbf: {  	s26 =	sadd.s32 $0x1E, s21;
	[sflag:s4] =	ssyncadd.s32 $0xFFFFD800  }
0xc0: {  	[tilespmem:s6], [sflag:$0x4] =	stream.linear.gather [hbm4b:s26+s16], $0x50, $0x38;
	[tilespmem:$0x1E100] =	vst v63  }
0xc1: {  	s29 =	sadd.s32 $0xFFFFFFB0, s24  }
0xc2: {  	[tilespmem:s5], [sflag:$0x1] =	stream.indirect.gather [hbm4b:s19+s7], $0x80, s29, s7, $0xb8;
	[tilespmem:$0x1E100] =	vst v63  }
0xc3: {  	_ =	swait.ge [sflag:s14], $0x50  }
0xc4: {  	[sflag:s14] =	ssyncset.done $0x0  }
0xc5: {  	[sflag:s14] =	ssyncadd.s32 $0xFFFFFFB0  }
0xc6: {  	_ =	swait.ge [sflag:s15], $0x2800  }
0xc7: {  	[sflag:s15] =	ssyncset.done $0x0  }
0xc8: {  	[sflag:s15] =	ssyncadd.s32 $0xFFFFD800  }
0xc9: {  	[spmem:s20] =	stream.indirect.scatter.add.f32 [tilespmem:s9], [sflag:$0x7], $0x80, s8, s7, $0xb8;
	[tilespmem:$0x1E100] =	vst v63  }
0xca: {  	_ =	swait.ge [sflag:s4], $0x2800  }
0xcb: {  	[sflag:s4] =	ssyncset.done $0x0  }
0xcc: {  	s21 =	sadd.s32 $0x28, s21;
	[sflag:s4] =	ssyncadd.s32 $0xFFFFD800  }
0xcd: {  	[tilespmem:s8], [sflag:$0x5] =	stream.linear.gather [hbm4b:s21+s16], $0x50, $0x38;
	[tilespmem:$0x1E100] =	vst v63  }
0xce: {  	_ = 	snop  }
0xcf: {  	[tilespmem:s9], [sflag:$0x2] =	stream.indirect.gather [hbm4b:s19+s7], $0x80, s24, s7, $0xb8;
	[tilespmem:$0x1E100] =	vst v63  }
0xd0: {  	_ =	swait.ge [sflag:s17], $0x50  }
0xd1: {  	[sflag:s17] =	ssyncset.done $0x0  }
0xd2: {  	[sflag:s17] =	ssyncadd.s32 $0xFFFFFFB0  }
0xd3: {  	_ =	swait.ge [sflag:s25], $0x2800  }
0xd4: {  	[sflag:s25] =	ssyncset.done $0x0  }
0xd5: {  	[sflag:s25] =	ssyncadd.s32 $0xFFFFD800  }
0xd6: {  	[spmem:s20] =	stream.indirect.scatter.add.f32 [tilespmem:s11], [sflag:$0x7], $0x80, s10, s7, $0xb8;
	[tilespmem:$0x1E100] =	vst v63  }
0xd7: {  	_ =	swait.ge [sflag:s4], $0x2800  }
0xd8: {  	[sflag:s4] =	ssyncset.done $0x0  }
0xd9: {  	[sflag:s4] =	ssyncadd.s32 $0xFFFFD800  }
0xda: {  	_ =	swait.ge [sflag:s12], $0x50  }
0xdb: {  	[sflag:s12] =	ssyncset.done $0x0  }
0xdc: {  	[sflag:s12] =	ssyncadd.s32 $0xFFFFFFB0  }
0xdd: {  	_ =	swait.ge [sflag:s13], $0x2800  }
0xde: {  	[sflag:s13] =	ssyncset.done $0x0  }
0xdf: {  	[sflag:s13] =	ssyncadd.s32 $0xFFFFD800  }
0xe0: {  	[spmem:s20] =	stream.indirect.scatter.add.f32 [tilespmem:s5], [sflag:$0x7], $0x80, s6, s7, $0xb8;
	[tilespmem:$0x1E100] =	vst v63  }
0xe1: {  	_ =	swait.ge [sflag:s4], $0x2800  }
0xe2: {  	[sflag:s4] =	ssyncset.done $0x0  }
0xe3: {  	[sflag:s4] =	ssyncadd.s32 $0xFFFFD800  }
0xe4: {  	_ =	swait.ge [sflag:s14], $0x50  }
0xe5: {  	[sflag:s14] =	ssyncset.done $0x0  }
0xe6: {  	[sflag:s14] =	ssyncadd.s32 $0xFFFFFFB0  }
0xe7: {  	_ =	swait.ge [sflag:s15], $0x2800  }
0xe8: {  	[sflag:s15] =	ssyncset.done $0x0  }
0xe9: {  	[sflag:s15] =	ssyncadd.s32 $0xFFFFD800  }
0xea: {  	[spmem:s20] =	stream.indirect.scatter.add.f32 [tilespmem:s9], [sflag:$0x7], $0x80, s8, s7, $0xb8;
	[tilespmem:$0x1E100] =	vst v63  }
0xeb: {  	_ =	swait.ge [sflag:s4], $0x2800  }
0xec: {  	[sflag:s4] =	ssyncset.done $0x0  }
0xed: {  	[sflag:s4] =	ssyncadd.s32 $0xFFFFD800  }
0xee: {  	[bflag:$0x0] =	sbarrier.arrive $0xFFFF  }
0xef: {  	s21 =	rddreg [dreg:$0x17]  }
0xf0: {  	[tilespmem:s5], [sflag:$0x7] =	stream.linear.gather [spmem:s21], $0x2800, $0x38;
	[tilespmem:$0x1E100] =	vst v63  }
0xf1: {  	_ =	swait.ge [sflag:s4], $0x2800  }
0xf2: {  	[sflag:s4] =	ssyncset.done $0x0  }
0xf3: {  	s24 =	simm.s32 $0x0;
	s26 =	rddreg [dreg:$0x4];
	[sflag:s4] =	ssyncadd.s32 $0xFFFFD800  }
0xf4: {  	[hbm4b:s26+s24] =	stream.linear.scatter [tilespmem:s5], [sflag:$0x7], $0x2800, $0x38;
	[tilespmem:$0x1E100] =	vst v63  }
0xf5: {  	_ =	swait.ge [sflag:s4], $0x2800  }
0xf6: {  	[sflag:s4] =	ssyncset.done $0x0  }
0xf7: {  	s26 =	rddreg [dreg:$0x18];
	[sflag:s4] =	ssyncadd.s32 $0xFFFFD800  }
0xf8: {  	[tilespmem:s5], [sflag:$0x7] =	stream.linear.gather [spmem:s26], $0x2800, $0x38;
	[tilespmem:$0x1E100] =	vst v63  }
0xf9: {  	_ =	swait.ge [sflag:s4], $0x2800  }
0xfa: {  	[sflag:s4] =	ssyncset.done $0x0  }
0xfb: {  	s29 =	rddreg [dreg:$0x5];
	[sflag:s4] =	ssyncadd.s32 $0xFFFFD800  }
0xfc: {  	[hbm4b:s29+s24] =	stream.linear.scatter [tilespmem:s5], [sflag:$0x7], $0x2800, $0x38;
	[tilespmem:$0x1E100] =	vst v63  }
0xfd: {  	_ =	swait.ge [sflag:s4], $0x2800  }
0xfe: {  	[sflag:s4] =	ssyncset.done $0x0  }
0xff: {  	s28 =	rddreg [dreg:$0x19];
	[sflag:s4] =	ssyncadd.s32 $0xFFFFD800  }
0x100: {  	[tilespmem:s5], [sflag:$0x7] =	stream.linear.gather [spmem:s28], $0x2800, $0x38;
	[tilespmem:$0x1E100] =	vst v63  }
0x101: {  	_ =	swait.ge [sflag:s4], $0x2800  }
0x102: {  	[sflag:s4] =	ssyncset.done $0x0  }
0x103: {  	s29 =	rddreg [dreg:$0x6];
	[sflag:s4] =	ssyncadd.s32 $0xFFFFD800  }
0x104: {  	[hbm4b:s29+s24] =	stream.linear.scatter [tilespmem:s5], [sflag:$0x7], $0x2800, $0x38;
	[tilespmem:$0x1E100] =	vst v63  }
0x105: {  	_ =	swait.ge [sflag:s4], $0x2800  }
0x106: {  	[sflag:s4] =	ssyncset.done $0x0  }
0x107: {  	[sflag:s4] =	ssyncadd.s32 $0xFFFFD800  }
0x108: {  	[tilespmem:s5], [sflag:$0x7] =	stream.linear.gather [spmem:s30], $0x2800, $0x38;
	[tilespmem:$0x1E100] =	vst v63  }
0x109: {  	_ =	swait.ge [sflag:s4], $0x2800  }
0x10a: {  	[sflag:s4] =	ssyncset.done $0x0  }
0x10b: {  	s29 =	rddreg [dreg:$0x7];
	[sflag:s4] =	ssyncadd.s32 $0xFFFFD800  }
0x10c: {  	[hbm4b:s29+s24] =	stream.linear.scatter [tilespmem:s5], [sflag:$0x7], $0x2800, $0x38;
	[tilespmem:$0x1E100] =	vst v63  }
0x10d: {  	_ =	swait.ge [sflag:s4], $0x2800  }
0x10e: {  	[sflag:s4] =	ssyncset.done $0x0  }
0x10f: {  	[sflag:s4] =	ssyncadd.s32 $0xFFFFD800  }
0x110: {  	[tilespmem:s5], [sflag:$0x7] =	stream.linear.gather [spmem:s31], $0x2800, $0x38;
	[tilespmem:$0x1E100] =	vst v63  }
0x111: {  	_ =	swait.ge [sflag:s4], $0x2800  }
0x112: {  	[sflag:s4] =	ssyncset.done $0x0  }
0x113: {  	s29 =	rddreg [dreg:$0x8];
	[sflag:s4] =	ssyncadd.s32 $0xFFFFD800  }
0x114: {  	[hbm4b:s29+s24] =	stream.linear.scatter [tilespmem:s5], [sflag:$0x7], $0x2800, $0x38;
	[tilespmem:$0x1E100] =	vst v63  }
0x115: {  	_ =	swait.ge [sflag:s4], $0x2800  }
0x116: {  	[sflag:s4] =	ssyncset.done $0x0  }
0x117: {  	[sflag:s4] =	ssyncadd.s32 $0xFFFFD800  }
0x118: {  	[tilespmem:s5], [sflag:$0x7] =	stream.linear.gather [spmem:s18], $0x2800, $0x38;
	[tilespmem:$0x1E100] =	vst v63  }
0x119: {  	_ =	swait.ge [sflag:s4], $0x2800  }
0x11a: {  	[sflag:s4] =	ssyncset.done $0x0  }
0x11b: {  	s29 =	rddreg [dreg:$0x9];
	[sflag:s4] =	ssyncadd.s32 $0xFFFFD800  }
0x11c: {  	[hbm4b:s29+s24] =	stream.linear.scatter [tilespmem:s5], [sflag:$0x7], $0x2800, $0x38;
	[tilespmem:$0x1E100] =	vst v63  }
0x11d: {  	_ =	swait.ge [sflag:s4], $0x2800  }
0x11e: {  	[sflag:s4] =	ssyncset.done $0x0  }
0x11f: {  	[sflag:s4] =	ssyncadd.s32 $0xFFFFD800  }
0x120: {  	[tilespmem:s5], [sflag:$0x7] =	stream.linear.gather [spmem:s0], $0x2800, $0x38;
	[tilespmem:$0x1E100] =	vst v63  }
0x121: {  	_ =	swait.ge [sflag:s4], $0x2800  }
0x122: {  	[sflag:s4] =	ssyncset.done $0x0  }
0x123: {  	s29 =	rddreg [dreg:$0xa];
	[sflag:s4] =	ssyncadd.s32 $0xFFFFD800  }
0x124: {  	[hbm4b:s29+s24] =	stream.linear.scatter [tilespmem:s5], [sflag:$0x7], $0x2800, $0x38;
	[tilespmem:$0x1E100] =	vst v63  }
0x125: {  	_ =	swait.ge [sflag:s4], $0x2800  }
0x126: {  	[sflag:s4] =	ssyncset.done $0x0  }
0x127: {  	[sflag:s4] =	ssyncadd.s32 $0xFFFFD800  }
0x128: {  	[tilespmem:s5], [sflag:$0x7] =	stream.linear.gather [spmem:s1], $0x2800, $0x38;
	[tilespmem:$0x1E100] =	vst v63  }
0x129: {  	_ =	swait.ge [sflag:s4], $0x2800  }
0x12a: {  	[sflag:s4] =	ssyncset.done $0x0  }
0x12b: {  	s29 =	rddreg [dreg:$0xb];
	[sflag:s4] =	ssyncadd.s32 $0xFFFFD800  }
0x12c: {  	[hbm4b:s29+s24] =	stream.linear.scatter [tilespmem:s5], [sflag:$0x7], $0x2800, $0x38;
	[tilespmem:$0x1E100] =	vst v63  }
0x12d: {  	_ =	swait.ge [sflag:s4], $0x2800  }
0x12e: {  	[sflag:s4] =	ssyncset.done $0x0  }
0x12f: {  	[sflag:s4] =	ssyncadd.s32 $0xFFFFD800  }
0x130: {  	[bflag:$0x0] =	sbarrier.arrive $0xFFFF  }
0x131: {  	s29 =	rddreg [dreg:$0x15]  }
0x132: {  	[tilespmem:s5], [sflag:$0x7] =	stream.linear.gather [hbm4b:s29+s24], $0x2800, $0x38;
	[tilespmem:$0x1E100] =	vst v63  }
0x133: {  	_ =	swait.ge [sflag:s4], $0x2800  }
0x134: {  	[sflag:s4] =	ssyncset.done $0x0  }
0x135: {  	[sflag:s4] =	ssyncadd.s32 $0xFFFFD800  }
0x136: {  	[spmem:s21] =	stream.linear.scatter [tilespmem:s5], [sflag:$0x7], $0x2800, $0x38;
	[tilespmem:$0x1E100] =	vst v63  }
0x137: {  	_ =	swait.ge [sflag:s4], $0x2800  }
0x138: {  	[sflag:s4] =	ssyncset.done $0x0  }
0x139: {  	[sflag:s4] =	ssyncadd.s32 $0xFFFFD800  }
0x13a: {  	[spmem:s26] =	stream.linear.scatter [tilespmem:s5], [sflag:$0x7], $0x2800, $0x38;
	[tilespmem:$0x1E100] =	vst v63  }
0x13b: {  	_ =	swait.ge [sflag:s4], $0x2800  }
0x13c: {  	[sflag:s4] =	ssyncset.done $0x0  }
0x13d: {  	[sflag:s4] =	ssyncadd.s32 $0xFFFFD800  }
0x13e: {  	[spmem:s28] =	stream.linear.scatter [tilespmem:s5], [sflag:$0x7], $0x2800, $0x38;
	[tilespmem:$0x1E100] =	vst v63  }
0x13f: {  	_ =	swait.ge [sflag:s4], $0x2800  }
0x140: {  	[sflag:s4] =	ssyncset.done $0x0  }
0x141: {  	[sflag:s4] =	ssyncadd.s32 $0xFFFFD800  }
0x142: {  	[spmem:s30] =	stream.linear.scatter [tilespmem:s5], [sflag:$0x7], $0x2800, $0x38;
	[tilespmem:$0x1E100] =	vst v63  }
0x143: {  	_ =	swait.ge [sflag:s4], $0x2800  }
0x144: {  	[sflag:s4] =	ssyncset.done $0x0  }
0x145: {  	[sflag:s4] =	ssyncadd.s32 $0xFFFFD800  }
0x146: {  	[spmem:s31] =	stream.linear.scatter [tilespmem:s5], [sflag:$0x7], $0x2800, $0x38;
	[tilespmem:$0x1E100] =	vst v63  }
0x147: {  	_ =	swait.ge [sflag:s4], $0x2800  }
0x148: {  	[sflag:s4] =	ssyncset.done $0x0  }
0x149: {  	[sflag:s4] =	ssyncadd.s32 $0xFFFFD800  }
0x14a: {  	[spmem:s18] =	stream.linear.scatter [tilespmem:s5], [sflag:$0x7], $0x2800, $0x38;
	[tilespmem:$0x1E100] =	vst v63  }
0x14b: {  	_ =	swait.ge [sflag:s4], $0x2800  }
0x14c: {  	[sflag:s4] =	ssyncset.done $0x0  }
0x14d: {  	[sflag:s4] =	ssyncadd.s32 $0xFFFFD800  }
0x14e: {  	[spmem:s0] =	stream.linear.scatter [tilespmem:s5], [sflag:$0x7], $0x2800, $0x38;
	[tilespmem:$0x1E100] =	vst v63  }
0x14f: {  	_ =	swait.ge [sflag:s4], $0x2800  }
0x150: {  	[sflag:s4] =	ssyncset.done $0x0  }
0x151: {  	[sflag:s4] =	ssyncadd.s32 $0xFFFFD800  }
0x152: {  	[spmem:s1] =	stream.linear.scatter [tilespmem:s5], [sflag:$0x7], $0x2800, $0x38;
	[tilespmem:$0x1E100] =	vst v63  }
0x153: {  	_ =	swait.ge [sflag:s4], $0x2800  }
0x154: {  	[sflag:s4] =	ssyncset.done $0x0  }
0x155: {  	[sflag:s4] =	ssyncadd.s32 $0xFFFFD800  }
0x156: {  	[bflag:$0x0] =	sbarrier.arrive $0xFFFF  }
0x157: {  	s29 =	rddreg [dreg:$0x14]  }
0x158: {  	[tilespmem:s6], [sflag:$0x4] =	stream.linear.gather [hbm4b:s29+s24], $0x50, $0x38;
	[tilespmem:$0x1E100] =	vst v63  }
0x159: {  	_ = 	snop  }
0x15a: {  	[tilespmem:s5], [sflag:$0x1] =	stream.indirect.gather [hbm4b:s23+s7], $0x80, s24, s7, $0xb8;
	[tilespmem:$0x1E100] =	vst v63  }
0x15b: {  	s21 =	rddreg [dreg:$0x1b]  }
0x15c: {  	[tilespmem:s8], [sflag:$0x5] =	stream.linear.gather [hbm4b:s21+s24], $0x50, $0x38;
	[tilespmem:$0x1E100] =	vst v63  }
0x15d: {  	s3 =	sadd.s32 $0x0, s22  }
0x15e: {  	[tilespmem:s9], [sflag:$0x2] =	stream.indirect.gather [hbm4b:s23+s7], $0x80, s7, s7, $0xb8;
	[tilespmem:$0x1E100] =	vst v63  }
0x15f: {  	s26 =	sadd.s32 $0x14, s3  }
0x160: {  	[tilespmem:s10], [sflag:$0x6] =	stream.linear.gather [hbm4b:s26+s16], $0x50, $0x38;
	[tilespmem:$0x1E100] =	vst v63  }
0x161: {  	s29 =	simm.s32 $0xA0  }
0x162: {  	[tilespmem:s11], [sflag:$0x3] =	stream.indirect.gather [hbm4b:s23+s7], $0x80, s29, s7, $0xb8;
	[tilespmem:$0x1E100] =	vst v63  }
0x163: {  	_ =	swait.ge [sflag:s12], $0x50  }
0x164: {  	[sflag:s12] =	ssyncset.done $0x0  }
0x165: {  	[sflag:s12] =	ssyncadd.s32 $0xFFFFFFB0  }
0x166: {  	_ =	swait.ge [sflag:s13], $0x2800  }
0x167: {  	[sflag:s13] =	ssyncset.done $0x0  }
0x168: {  	[sflag:s13] =	ssyncadd.s32 $0xFFFFD800  }
0x169: {  	[spmem:s20] =	stream.indirect.scatter.add.f32 [tilespmem:s5], [sflag:$0x7], $0x80, s6, s7, $0xb8;
	[tilespmem:$0x1E100] =	vst v63  }
0x16a: {  	_ =	swait.ge [sflag:s4], $0x2800  }
0x16b: {  	[sflag:s4] =	ssyncset.done $0x0  }
0x16c: {  	s24 =	sadd.s32 $0x1E, s3;
	[sflag:s4] =	ssyncadd.s32 $0xFFFFD800  }
0x16d: {  	[tilespmem:s6], [sflag:$0x4] =	stream.linear.gather [hbm4b:s24+s16], $0x50, $0x38;
	[tilespmem:$0x1E100] =	vst v63  }
0x16e: {  	s26 =	simm.s32 $0xF0  }
0x16f: {  	[tilespmem:s5], [sflag:$0x1] =	stream.indirect.gather [hbm4b:s23+s7], $0x80, s26, s7, $0xb8;
	[tilespmem:$0x1E100] =	vst v63  }
0x170: {  	_ =	swait.ge [sflag:s14], $0x50  }
0x171: {  	[sflag:s14] =	ssyncset.done $0x0  }
0x172: {  	[sflag:s14] =	ssyncadd.s32 $0xFFFFFFB0  }
0x173: {  	_ =	swait.ge [sflag:s15], $0x2800  }
0x174: {  	[sflag:s15] =	ssyncset.done $0x0  }
0x175: {  	[sflag:s15] =	ssyncadd.s32 $0xFFFFD800  }
0x176: {  	[spmem:s20] =	stream.indirect.scatter.add.f32 [tilespmem:s9], [sflag:$0x7], $0x80, s8, s7, $0xb8;
	[tilespmem:$0x1E100] =	vst v63  }
0x177: {  	_ =	swait.ge [sflag:s4], $0x2800  }
0x178: {  	[sflag:s4] =	ssyncset.done $0x0  }
0x179: {  	s3 =	sadd.s32 $0x28, s3;
	[sflag:s4] =	ssyncadd.s32 $0xFFFFD800  }
0x17a: {  	[tilespmem:s8], [sflag:$0x5] =	stream.linear.gather [hbm4b:s3+s16], $0x50, $0x38;
	[tilespmem:$0x1E100] =	vst v63  }
0x17b: {  	s29 =	simm.s32 $0x140  }
0x17c: {  	[tilespmem:s9], [sflag:$0x2] =	stream.indirect.gather [hbm4b:s23+s7], $0x80, s29, s7, $0xb8;
	[tilespmem:$0x1E100] =	vst v63  }
0x17d: {  	_ =	swait.ge [sflag:s17], $0x50  }
0x17e: {  	[sflag:s17] =	ssyncset.done $0x0  }
0x17f: {  	[sflag:s17] =	ssyncadd.s32 $0xFFFFFFB0  }
0x180: {  	_ =	swait.ge [sflag:s25], $0x2800  }
0x181: {  	[sflag:s25] =	ssyncset.done $0x0  }
0x182: {  	[sflag:s25] =	ssyncadd.s32 $0xFFFFD800  }
0x183: {  	[spmem:s20] =	stream.indirect.scatter.add.f32 [tilespmem:s11], [sflag:$0x7], $0x80, s10, s7, $0xb8;
	[tilespmem:$0x1E100] =	vst v63  }
0x184: {  	s28 =	simm.s32 $0x3C;
	_ =	swait.ge [sflag:s4], $0x2800  }
0x185: {  	s21 =	sadd.s32 $0x1E, s22;
	s24 =	simm.s32 $0x230;
	[sflag:s4] =	ssyncset.done $0x0  }
.LBB2_4:
0x186: {  	s29 =	sadd.s32 $0x14, s21  }
0x187: {  	[sflag:s4] =	ssyncadd.s32 $0xFFFFD800;
	s26 =	smov.u32 s28;
	s3 =	sadd.s32 $0x1E, s28  }
0x188: {  	[tilespmem:s10], [sflag:$0x6] =	stream.linear.gather [hbm4b:s29+s16], $0x50, $0x38;
	[tilespmem:$0x1E100] =	vst v63  }
0x189: {  	p0 =	sne.s32 s28, $0x4B0;
	s28 =	sadd.s32 $0xFFFFFF60, s24  }
0x18a: {  	[tilespmem:s11], [sflag:$0x3] =	stream.indirect.gather [hbm4b:s23+s7], $0x80, s28, s7, $0xb8;
	[tilespmem:$0x1E100] =	vst v63  }
0x18b: {  	_ =	swait.ge [sflag:s12], $0x50  }
0x18c: {  	[sflag:s12] =	ssyncset.done $0x0  }
0x18d: {  	[sflag:s12] =	ssyncadd.s32 $0xFFFFFFB0  }
0x18e: {  	_ =	swait.ge [sflag:s13], $0x2800  }
0x18f: {  	[sflag:s13] =	ssyncset.done $0x0  }
0x190: {  	[sflag:s13] =	ssyncadd.s32 $0xFFFFD800  }
0x191: {  	[spmem:s20] =	stream.indirect.scatter.add.f32 [tilespmem:s5], [sflag:$0x7], $0x80, s6, s7, $0xb8;
	[tilespmem:$0x1E100] =	vst v63  }
0x192: {  	_ =	swait.ge [sflag:s4], $0x2800  }
0x193: {  	[sflag:s4] =	ssyncset.done $0x0  }
0x194: {  	s28 =	sadd.s32 $0x1E, s21;
	[sflag:s4] =	ssyncadd.s32 $0xFFFFD800  }
0x195: {  	[tilespmem:s6], [sflag:$0x4] =	stream.linear.gather [hbm4b:s28+s16], $0x50, $0x38;
	[tilespmem:$0x1E100] =	vst v63  }
0x196: {  	s28 =	sadd.s32 $0xFFFFFFB0, s24  }
0x197: {  	[tilespmem:s5], [sflag:$0x1] =	stream.indirect.gather [hbm4b:s23+s7], $0x80, s28, s7, $0xb8;
	[tilespmem:$0x1E100] =	vst v63  }
0x198: {  	_ =	swait.ge [sflag:s14], $0x50  }
0x199: {  	[sflag:s14] =	ssyncset.done $0x0  }
0x19a: {  	[sflag:s14] =	ssyncadd.s32 $0xFFFFFFB0  }
0x19b: {  	_ =	swait.ge [sflag:s15], $0x2800  }
0x19c: {  	[sflag:s15] =	ssyncset.done $0x0  }
0x19d: {  	[sflag:s15] =	ssyncadd.s32 $0xFFFFD800  }
0x19e: {  	[spmem:s20] =	stream.indirect.scatter.add.f32 [tilespmem:s9], [sflag:$0x7], $0x80, s8, s7, $0xb8;
	[tilespmem:$0x1E100] =	vst v63  }
0x19f: {  	_ =	swait.ge [sflag:s4], $0x2800  }
0x1a0: {  	[sflag:s4] =	ssyncset.done $0x0  }
0x1a1: {  	s21 =	sadd.s32 $0x28, s21;
	[sflag:s4] =	ssyncadd.s32 $0xFFFFD800  }
0x1a2: {  	[tilespmem:s8], [sflag:$0x5] =	stream.linear.gather [hbm4b:s21+s16], $0x50, $0x38;
	[tilespmem:$0x1E100] =	vst v63  }
0x1a3: {  	_ = 	snop  }
0x1a4: {  	[tilespmem:s9], [sflag:$0x2] =	stream.indirect.gather [hbm4b:s23+s7], $0x80, s24, s7, $0xb8;
	[tilespmem:$0x1E100] =	vst v63  }
0x1a5: {  	_ =	swait.ge [sflag:s17], $0x50  }
0x1a6: {  	[sflag:s17] =	ssyncset.done $0x0  }
0x1a7: {  	[sflag:s17] =	ssyncadd.s32 $0xFFFFFFB0  }
0x1a8: {  	_ =	swait.ge [sflag:s25], $0x2800  }
.Ltmp1:
0x1a9: {  	[sflag:s25] =	ssyncset.done $0x0;
	(pc) =	sbr.rel @p0 .LBB2_4-.Ltmp1, $4  }
0x1aa: {  	[sflag:s25] =	ssyncadd.s32 $0xFFFFD800  }
0x1ab: {  	[spmem:s20] =	stream.indirect.scatter.add.f32 [tilespmem:s11], [sflag:$0x7], $0x80, s10, s7, $0xb8;
	[tilespmem:$0x1E100] =	vst v63  }
0x1ac: {  	s28 =	smov.u32 s3;
	_ =	swait.ge [sflag:s4], $0x2800  }
0x1ad: {  	s21 =	sadd.s32 s26, s22;
	s24 =	sadd.s32 $0xF0, s24;
	[sflag:s4] =	ssyncset.done $0x0  }
0x1ae: {  	s3 =	sadd.s32 $0x14, s21;
	[sflag:s4] =	ssyncadd.s32 $0xFFFFD800  }
0x1af: {  	[tilespmem:s10], [sflag:$0x6] =	stream.linear.gather [hbm4b:s3+s16], $0x50, $0x38;
	[tilespmem:$0x1E100] =	vst v63  }
0x1b0: {  	s26 =	sadd.s32 $0xFFFFFF60, s24  }
0x1b1: {  	[tilespmem:s11], [sflag:$0x3] =	stream.indirect.gather [hbm4b:s23+s7], $0x80, s26, s7, $0xb8;
	[tilespmem:$0x1E100] =	vst v63  }
0x1b2: {  	_ =	swait.ge [sflag:s12], $0x50  }
0x1b3: {  	[sflag:s12] =	ssyncset.done $0x0  }
0x1b4: {  	[sflag:s12] =	ssyncadd.s32 $0xFFFFFFB0  }
0x1b5: {  	_ =	swait.ge [sflag:s13], $0x2800  }
0x1b6: {  	[sflag:s13] =	ssyncset.done $0x0  }
0x1b7: {  	[sflag:s13] =	ssyncadd.s32 $0xFFFFD800  }
0x1b8: {  	[spmem:s20] =	stream.indirect.scatter.add.f32 [tilespmem:s5], [sflag:$0x7], $0x80, s6, s7, $0xb8;
	[tilespmem:$0x1E100] =	vst v63  }
0x1b9: {  	_ =	swait.ge [sflag:s4], $0x2800  }
0x1ba: {  	[sflag:s4] =	ssyncset.done $0x0  }
0x1bb: {  	s28 =	sadd.s32 $0x1E, s21;
	[sflag:s4] =	ssyncadd.s32 $0xFFFFD800  }
0x1bc: {  	[tilespmem:s6], [sflag:$0x4] =	stream.linear.gather [hbm4b:s28+s16], $0x50, $0x38;
	[tilespmem:$0x1E100] =	vst v63  }
0x1bd: {  	s29 =	sadd.s32 $0xFFFFFFB0, s24  }
0x1be: {  	[tilespmem:s5], [sflag:$0x1] =	stream.indirect.gather [hbm4b:s23+s7], $0x80, s29, s7, $0xb8;
	[tilespmem:$0x1E100] =	vst v63  }
0x1bf: {  	_ =	swait.ge [sflag:s14], $0x50  }
0x1c0: {  	[sflag:s14] =	ssyncset.done $0x0  }
0x1c1: {  	[sflag:s14] =	ssyncadd.s32 $0xFFFFFFB0  }
0x1c2: {  	_ =	swait.ge [sflag:s15], $0x2800  }
0x1c3: {  	[sflag:s15] =	ssyncset.done $0x0  }
0x1c4: {  	[sflag:s15] =	ssyncadd.s32 $0xFFFFD800  }
0x1c5: {  	[spmem:s20] =	stream.indirect.scatter.add.f32 [tilespmem:s9], [sflag:$0x7], $0x80, s8, s7, $0xb8;
	[tilespmem:$0x1E100] =	vst v63  }
0x1c6: {  	_ =	swait.ge [sflag:s4], $0x2800  }
0x1c7: {  	[sflag:s4] =	ssyncset.done $0x0  }
0x1c8: {  	s21 =	sadd.s32 $0x28, s21;
	[sflag:s4] =	ssyncadd.s32 $0xFFFFD800  }
0x1c9: {  	[tilespmem:s8], [sflag:$0x5] =	stream.linear.gather [hbm4b:s21+s16], $0x50, $0x38;
	[tilespmem:$0x1E100] =	vst v63  }
0x1ca: {  	_ = 	snop  }
0x1cb: {  	[tilespmem:s9], [sflag:$0x2] =	stream.indirect.gather [hbm4b:s23+s7], $0x80, s24, s7, $0xb8;
	[tilespmem:$0x1E100] =	vst v63  }
0x1cc: {  	_ =	swait.ge [sflag:s17], $0x50  }
0x1cd: {  	[sflag:s17] =	ssyncset.done $0x0  }
0x1ce: {  	[sflag:s17] =	ssyncadd.s32 $0xFFFFFFB0  }
0x1cf: {  	_ =	swait.ge [sflag:s25], $0x2800  }
0x1d0: {  	[sflag:s25] =	ssyncset.done $0x0  }
0x1d1: {  	[sflag:s25] =	ssyncadd.s32 $0xFFFFD800  }
0x1d2: {  	[spmem:s20] =	stream.indirect.scatter.add.f32 [tilespmem:s11], [sflag:$0x7], $0x80, s10, s7, $0xb8;
	[tilespmem:$0x1E100] =	vst v63  }
0x1d3: {  	_ =	swait.ge [sflag:s4], $0x2800  }
0x1d4: {  	[sflag:s4] =	ssyncset.done $0x0  }
0x1d5: {  	[sflag:s4] =	ssyncadd.s32 $0xFFFFD800  }
0x1d6: {  	_ =	swait.ge [sflag:s12], $0x50  }
0x1d7: {  	[sflag:s12] =	ssyncset.done $0x0  }
0x1d8: {  	[sflag:s12] =	ssyncadd.s32 $0xFFFFFFB0  }
0x1d9: {  	_ =	swait.ge [sflag:s13], $0x2800  }
0x1da: {  	[sflag:s13] =	ssyncset.done $0x0  }
0x1db: {  	[sflag:s13] =	ssyncadd.s32 $0xFFFFD800  }
0x1dc: {  	[spmem:s20] =	stream.indirect.scatter.add.f32 [tilespmem:s5], [sflag:$0x7], $0x80, s6, s7, $0xb8;
	[tilespmem:$0x1E100] =	vst v63  }
0x1dd: {  	_ =	swait.ge [sflag:s4], $0x2800  }
0x1de: {  	[sflag:s4] =	ssyncset.done $0x0  }
0x1df: {  	[sflag:s4] =	ssyncadd.s32 $0xFFFFD800  }
0x1e0: {  	_ =	swait.ge [sflag:s14], $0x50  }
0x1e1: {  	[sflag:s14] =	ssyncset.done $0x0  }
0x1e2: {  	[sflag:s14] =	ssyncadd.s32 $0xFFFFFFB0  }
0x1e3: {  	_ =	swait.ge [sflag:s15], $0x2800  }
0x1e4: {  	[sflag:s15] =	ssyncset.done $0x0  }
0x1e5: {  	[sflag:s15] =	ssyncadd.s32 $0xFFFFD800  }
0x1e6: {  	[spmem:s20] =	stream.indirect.scatter.add.f32 [tilespmem:s9], [sflag:$0x7], $0x80, s8, s7, $0xb8;
	[tilespmem:$0x1E100] =	vst v63  }
0x1e7: {  	_ =	swait.ge [sflag:s4], $0x2800  }
0x1e8: {  	[sflag:s4] =	ssyncset.done $0x0  }
0x1e9: {  	[sflag:s4] =	ssyncadd.s32 $0xFFFFD800  }
0x1ea: {  	[bflag:$0x0] =	sbarrier.arrive $0xFFFF  }
0x1eb: {  	s21 =	rddreg [dreg:$0x17]  }
0x1ec: {  	[tilespmem:s5], [sflag:$0x7] =	stream.linear.gather [spmem:s21], $0x2800, $0x38;
	[tilespmem:$0x1E100] =	vst v63  }
0x1ed: {  	_ =	swait.ge [sflag:s4], $0x2800  }
0x1ee: {  	[sflag:s4] =	ssyncset.done $0x0  }
0x1ef: {  	s26 =	rddreg [dreg:$0xc];
	[sflag:s4] =	ssyncadd.s32 $0xFFFFD800  }
0x1f0: {  	[hbm4b:s26+s16] =	stream.linear.scatter [tilespmem:s5], [sflag:$0x7], $0x2800, $0x38;
	[tilespmem:$0x1E100] =	vst v63  }
0x1f1: {  	_ =	swait.ge [sflag:s4], $0x2800  }
0x1f2: {  	[sflag:s4] =	ssyncset.done $0x0  }
0x1f3: {  	s24 =	rddreg [dreg:$0x18];
	[sflag:s4] =	ssyncadd.s32 $0xFFFFD800  }
0x1f4: {  	[tilespmem:s5], [sflag:$0x7] =	stream.linear.gather [spmem:s24], $0x2800, $0x38;
	[tilespmem:$0x1E100] =	vst v63  }
0x1f5: {  	_ =	swait.ge [sflag:s4], $0x2800  }
0x1f6: {  	[sflag:s4] =	ssyncset.done $0x0  }
0x1f7: {  	s28 =	rddreg [dreg:$0xd];
	[sflag:s4] =	ssyncadd.s32 $0xFFFFD800  }
0x1f8: {  	[hbm4b:s28+s16] =	stream.linear.scatter [tilespmem:s5], [sflag:$0x7], $0x2800, $0x38;
	[tilespmem:$0x1E100] =	vst v63  }
0x1f9: {  	_ =	swait.ge [sflag:s4], $0x2800  }
0x1fa: {  	[sflag:s4] =	ssyncset.done $0x0  }
0x1fb: {  	s26 =	rddreg [dreg:$0x19];
	[sflag:s4] =	ssyncadd.s32 $0xFFFFD800  }
0x1fc: {  	[tilespmem:s5], [sflag:$0x7] =	stream.linear.gather [spmem:s26], $0x2800, $0x38;
	[tilespmem:$0x1E100] =	vst v63  }
0x1fd: {  	_ =	swait.ge [sflag:s4], $0x2800  }
0x1fe: {  	[sflag:s4] =	ssyncset.done $0x0  }
0x1ff: {  	s29 =	rddreg [dreg:$0xe];
	[sflag:s4] =	ssyncadd.s32 $0xFFFFD800  }
0x200: {  	[hbm4b:s29+s16] =	stream.linear.scatter [tilespmem:s5], [sflag:$0x7], $0x2800, $0x38;
	[tilespmem:$0x1E100] =	vst v63  }
0x201: {  	_ =	swait.ge [sflag:s4], $0x2800  }
0x202: {  	[sflag:s4] =	ssyncset.done $0x0  }
0x203: {  	[sflag:s4] =	ssyncadd.s32 $0xFFFFD800  }
0x204: {  	[tilespmem:s5], [sflag:$0x7] =	stream.linear.gather [spmem:s30], $0x2800, $0x38;
	[tilespmem:$0x1E100] =	vst v63  }
0x205: {  	_ =	swait.ge [sflag:s4], $0x2800  }
0x206: {  	[sflag:s4] =	ssyncset.done $0x0  }
0x207: {  	s28 =	rddreg [dreg:$0xf];
	[sflag:s4] =	ssyncadd.s32 $0xFFFFD800  }
0x208: {  	[hbm4b:s28+s16] =	stream.linear.scatter [tilespmem:s5], [sflag:$0x7], $0x2800, $0x38;
	[tilespmem:$0x1E100] =	vst v63  }
0x209: {  	_ =	swait.ge [sflag:s4], $0x2800  }
0x20a: {  	[sflag:s4] =	ssyncset.done $0x0  }
0x20b: {  	[sflag:s4] =	ssyncadd.s32 $0xFFFFD800  }
0x20c: {  	[tilespmem:s5], [sflag:$0x7] =	stream.linear.gather [spmem:s31], $0x2800, $0x38;
	[tilespmem:$0x1E100] =	vst v63  }
0x20d: {  	_ =	swait.ge [sflag:s4], $0x2800  }
0x20e: {  	[sflag:s4] =	ssyncset.done $0x0  }
0x20f: {  	s29 =	rddreg [dreg:$0x10];
	[sflag:s4] =	ssyncadd.s32 $0xFFFFD800  }
0x210: {  	[hbm4b:s29+s16] =	stream.linear.scatter [tilespmem:s5], [sflag:$0x7], $0x2800, $0x38;
	[tilespmem:$0x1E100] =	vst v63  }
0x211: {  	_ =	swait.ge [sflag:s4], $0x2800  }
0x212: {  	[sflag:s4] =	ssyncset.done $0x0  }
0x213: {  	[sflag:s4] =	ssyncadd.s32 $0xFFFFD800  }
0x214: {  	[tilespmem:s5], [sflag:$0x7] =	stream.linear.gather [spmem:s18], $0x2800, $0x38;
	[tilespmem:$0x1E100] =	vst v63  }
0x215: {  	_ =	swait.ge [sflag:s4], $0x2800  }
0x216: {  	[sflag:s4] =	ssyncset.done $0x0  }
0x217: {  	s28 =	rddreg [dreg:$0x11];
	[sflag:s4] =	ssyncadd.s32 $0xFFFFD800  }
0x218: {  	[hbm4b:s28+s16] =	stream.linear.scatter [tilespmem:s5], [sflag:$0x7], $0x2800, $0x38;
	[tilespmem:$0x1E100] =	vst v63  }
0x219: {  	_ =	swait.ge [sflag:s4], $0x2800  }
0x21a: {  	[sflag:s4] =	ssyncset.done $0x0  }
0x21b: {  	[sflag:s4] =	ssyncadd.s32 $0xFFFFD800  }
0x21c: {  	[tilespmem:s5], [sflag:$0x7] =	stream.linear.gather [spmem:s0], $0x2800, $0x38;
	[tilespmem:$0x1E100] =	vst v63  }
0x21d: {  	_ =	swait.ge [sflag:s4], $0x2800  }
0x21e: {  	[sflag:s4] =	ssyncset.done $0x0  }
0x21f: {  	s29 =	rddreg [dreg:$0x12];
	[sflag:s4] =	ssyncadd.s32 $0xFFFFD800  }
0x220: {  	[hbm4b:s29+s16] =	stream.linear.scatter [tilespmem:s5], [sflag:$0x7], $0x2800, $0x38;
	[tilespmem:$0x1E100] =	vst v63  }
0x221: {  	_ =	swait.ge [sflag:s4], $0x2800  }
0x222: {  	[sflag:s4] =	ssyncset.done $0x0  }
0x223: {  	[sflag:s4] =	ssyncadd.s32 $0xFFFFD800  }
0x224: {  	[tilespmem:s5], [sflag:$0x7] =	stream.linear.gather [spmem:s1], $0x2800, $0x38;
	[tilespmem:$0x1E100] =	vst v63  }
0x225: {  	_ =	swait.ge [sflag:s4], $0x2800  }
0x226: {  	[sflag:s4] =	ssyncset.done $0x0  }
0x227: {  	s28 =	rddreg [dreg:$0x13];
	[sflag:s4] =	ssyncadd.s32 $0xFFFFD800  }
0x228: {  	[hbm4b:s28+s16] =	stream.linear.scatter [tilespmem:s5], [sflag:$0x7], $0x2800, $0x38;
	[tilespmem:$0x1E100] =	vst v63  }
0x229: {  	_ =	swait.ge [sflag:s4], $0x2800  }
0x22a: {  	s2 =	sadd.s32 $0x1, s2;
	s29 =	rddreg [dreg:$0x1a]  }
0x22b: {  	p0 =	sne.s32 s2, s29  }
.Ltmp2:
0x22c: {  	_ = 	snop;
	(pc) =	sbr.rel @p0 .LBB2_1-.Ltmp2, $3  }
0x22d: {  	[sflag:s4] =	ssyncset.done $0x0  }
0x22e: {  	[sflag:s4] =	ssyncadd.s32 $0xFFFFD800  }
0x22f: {  	[bflag:$0x0] =	sbarrier.arrive $0xFFFF;
	_ =	sdelay $0x1  }
0x230: {  	_ =	sfence.sel $0x180000  }
0x231: {  	[bflag:$0x0] =	sbarrier.arrive $0xFFFF  }
0x232: {  	_ =	strace $0x90000047  }
0x233: {  	s0 =	stileid.u32;
	[bflag:$0x2] =	sbarrier.arrive $0xFFFF  }
0x234: {  	p0 =	sne.s32 s0, $0x0;
	s0 =	rddreg [dreg:$0x3]  }
0x235: {  	s0 =	sadd.s32 @!p0 $0x100000, s0  }
0x236: {  	[sflag:s0] =	ssyncadd.tile.s32 @!p0 $0x1;
	_ =	shalt  }
.Lfunc_end2:
_tile_overlayer_lowered:
.L_overlay_start_2:
0x237: {  	(tag) =	ssettag $0x2  }
0x238: {  	s0 =	rddreg [dreg:$0x0];
	s2 =	stileid.u32  }
0x239: {  	s1 =	rddreg [dreg:$0x1];
	p0 =	sne.s32 s2, $0x0  }
0x23a: {  	s3 =	rddreg [dreg:$0x2];
	[bflag:$0x3] =	sbarrier.arrive $0xFFFF;
	s2 =	simm.s32 @!p0 $0x1C07  }
0x23b: {  	[timem:s3], [sflag:s2] =	dma.local @!p0 [hbm:s0], s1  }
0x23c: {  	s0 =	simm.s32 @!p0 $0x7  }
0x23d: {  	_ =	swait.ge @!p0 [sflag:s0], s1  }
0x23e: {  	s1 =	ssub.s32 @!p0 $0x0, s1;
	[sflag:s0] =	ssyncset.done @!p0 $0x0  }
0x23f: {  	[sflag:s0] =	ssyncadd.s32 @!p0 s1  }
0x240: {  	[bflag:$0x3] =	sbarrier.arrive $0xFFFF  }
0x241: {  	_ =	shalt  }

</sc_bundles>
